<compile_context>
chip_gen: v7x
topology: tpu7x:2x2x1
jax: 0.10.2.dev20260603
libtpu: 0.0.44.dev20260713+nightly
codegen_flags: <defaults>
</compile_context>

<pallas_src>
import dataclasses
import functools

import jax
import jax.numpy as jnp
from jax import lax
from jax.experimental import pallas as pl
from jax.experimental.pallas import tpu as pltpu
from jax.experimental.pallas import tpu_sc as plsc

_NC = 2
_NS = 16
_LANES = 16
_NW = _NC * _NS
_CHUNK = 128
_NBUF = 2


def _ceil_to(x, m):
    return (x + m - 1) // m * m


def _row_block(n):
    for bn in (2000, 1000, 800, 500, 400, 250, 200, 128, 8):
        if n % bn == 0:
            return bn
    return n


def _relation_transform(node_states, W_rel):
    N, D = node_states.shape
    R = W_rel.shape[0]
    BN = _row_block(N)
    NB = N // BN

    def body(x_ref, w_ref, o_ref):
        o_ref[...] = lax.dot_general(
            x_ref[...], w_ref[0],
            dimension_numbers=(((1,), (1,)), ((), ())),
            preferred_element_type=jnp.float32)

    return pl.pallas_call(
        body,
        grid=(R, NB),
        in_specs=[
            pl.BlockSpec((BN, D), lambda r, i: (i, 0)),
            pl.BlockSpec((1, D, D), lambda r, i: (r, 0, 0)),
        ],
        out_specs=pl.BlockSpec((BN, D), lambda r, i: (r * NB + i, 0)),
        out_shape=jax.ShapeDtypeStruct((R * N, D), jnp.float32),
    )(node_states, W_rel)


def _self_transform(node_states, W_self, b_self2d):
    N, D = node_states.shape
    BN = _row_block(N)

    def body(x_ref, w_ref, b_ref, o_ref):
        o_ref[...] = lax.dot_general(
            x_ref[...], w_ref[...],
            dimension_numbers=(((1,), (1,)), ((), ())),
            preferred_element_type=jnp.float32) + b_ref[...]

    return pl.pallas_call(
        body,
        grid=(N // BN,),
        in_specs=[
            pl.BlockSpec((BN, D), lambda i: (i, 0)),
            pl.BlockSpec((D, D), lambda i: (0, 0)),
            pl.BlockSpec((1, D), lambda i: (0, 0)),
        ],
        out_specs=pl.BlockSpec((BN, D), lambda i: (i, 0)),
        out_shape=jax.ShapeDtypeStruct((N, D), jnp.float32),
    )(node_states, W_self, b_self2d)


def _edge_indices(src_r, et_r, n_nodes):
    def body(s_ref, t_ref, o_ref):
        o_ref[...] = t_ref[...] * n_nodes + s_ref[...]

    return pl.pallas_call(
        body,
        out_shape=jax.ShapeDtypeStruct(src_r.shape, jnp.int32),
    )(src_r, et_r)


def _sc_aggregate(H, packed, NP, D):
    CT = packed.shape[0]
    CPT = CT // _NS
    ROWS = NP // _NS
    mesh = plsc.VectorSubcoreMesh(core_axis_name="c", subcore_axis_name="s")
    cp = pltpu.CompilerParams()
    if "needs_layout_passes" in pltpu.CompilerParams.__dataclass_fields__:
        cp = dataclasses.replace(cp, needs_layout_passes=False)

    @functools.partial(
        pl.kernel,
        compiler_params=cp,
        out_type=[
            jax.ShapeDtypeStruct((NP, D), jnp.float32),
            jax.ShapeDtypeStruct((_NS, NP), jnp.float32),
        ],
        mesh=mesh,
        scratch_types=[
            pltpu.VMEM((2, _CHUNK), jnp.int32),
            pltpu.VMEM((2, _CHUNK), jnp.int32),
            pltpu.VMEM((_CHUNK, D), jnp.float32),
            pltpu.VMEM((_CHUNK, D), jnp.float32),
            pltpu.VMEM((NP,), jnp.float32),
            pltpu.VMEM_SHARED((NP, D), jnp.float32),
            pltpu.SemaphoreType.DMA,
            pltpu.SemaphoreType.DMA,
            pltpu.SemaphoreType.DMA,
            pltpu.SemaphoreType.DMA,
        ],
    )
    def k(h_hbm, packed_hbm, agg_hbm, deg_hbm,
          idx0, idx1, rows0, rows1, deg_local, agg_sh,
          isem0, isem1, gsem0, gsem1):
        c = lax.axis_index("c")
        s = lax.axis_index("s")

        zeros16 = jnp.zeros((_LANES,), jnp.float32)
        ones16 = jnp.ones((_LANES,), jnp.float32)

        @pl.when(c == 0)
        def _():
            @pl.loop(0, NP, step=_LANES)
            def _(i):
                deg_local[pl.ds(i, _LANES)] = zeros16

            @pl.loop(0, _CHUNK)
            def _(i):
                @pl.loop(0, D, step=_LANES)
                def _(j):
                    rows0[i, pl.ds(j, _LANES)] = zeros16

            base = s * ROWS
            for kk in range(ROWS // _CHUNK):
                pltpu.sync_copy(rows0,
                                agg_sh.at[pl.ds(base + kk * _CHUNK, _CHUNK)])
            plsc.subcore_barrier()

            idxs = (idx0, idx1)
            rows = (rows0, rows1)
            isems = (isem0, isem1)
            gsems = (gsem0, gsem1)
            cbase = s * CPT

            pltpu.sync_copy(packed_hbm.at[cbase], idx0)
            pltpu.async_copy(packed_hbm.at[cbase + 1], idx1, isem1)
            pltpu.async_copy(h_hbm.at[idx0.at[0]], rows0, gsem0)

            @pl.loop(0, CPT, step=_NBUF)
            def _(k0):
                for b in range(_NBUF):
                    kb = k0 + b
                    pltpu.make_async_copy(
                        h_hbm.at[idxs[b].at[0]], rows[b], gsems[b]).wait()

                    @pl.when(kb + 1 < CPT)
                    def _():
                        pltpu.make_async_copy(
                            packed_hbm.at[cbase + kb + 1],
                            idxs[b ^ 1], isems[b ^ 1]).wait()
                        pltpu.async_copy(
                            h_hbm.at[idxs[b ^ 1].at[0]],
                            rows[b ^ 1], gsems[b ^ 1])

                    pltpu.sync_copy(
                        rows[b], agg_sh.at[idxs[b].at[1]], add=True)
                    for jj in range(_CHUNK // _LANES):
                        idx16 = idxs[b][1, pl.ds(jj * _LANES, _LANES)]
                        plsc.addupdate_scatter(deg_local, [idx16], ones16)

                    @pl.when(kb + 2 < CPT)
                    def _():
                        pltpu.async_copy(
                            packed_hbm.at[cbase + kb + 2], idxs[b], isems[b])

            plsc.subcore_barrier()

            pltpu.sync_copy(agg_sh.at[pl.ds(base, ROWS)],
                            agg_hbm.at[pl.ds(base, ROWS)])
            pltpu.sync_copy(deg_local, deg_hbm.at[s])

    return k(H, packed)


def _deg_sum(deg_p, NP):
    NPB = 2048

    def body(d_ref, o_ref):
        o_ref[...] = jnp.sum(d_ref[...], axis=0)[:, None]

    return pl.pallas_call(
        body,
        grid=(NP // NPB,),
        in_specs=[pl.BlockSpec((_NS, NPB), lambda i: (0, i))],
        out_specs=pl.BlockSpec((NPB, 1), lambda i: (i, 0)),
        out_shape=jax.ShapeDtypeStruct((NP, 1), jnp.float32),
    )(deg_p)


def _finalize(selfed, agg_p, deg_n1):
    N, D = selfed.shape
    BN = _row_block(N)

    def body(s_ref, a_ref, d_ref, o_ref):
        o_ref[...] = jnp.maximum(
            s_ref[...] + a_ref[...] / jnp.maximum(d_ref[...], 1.0), 0.0)

    return pl.pallas_call(
        body,
        grid=(N // BN,),
        in_specs=[
            pl.BlockSpec((BN, D), lambda i: (i, 0)),
            pl.BlockSpec((BN, D), lambda i: (i, 0)),
            pl.BlockSpec((BN, 1), lambda i: (i, 0)),
        ],
        out_specs=pl.BlockSpec((BN, D), lambda i: (i, 0)),
        out_shape=jax.ShapeDtypeStruct((N, D), jnp.float32),
    )(selfed, agg_p, deg_n1)


def kernel(node_states, edge_index, edge_type, W_self, b_self, W_rel):
    N, D = node_states.shape
    E = edge_type.shape[0]

    NP = _ceil_to(N, _NS * _CHUNK)
    Ep = _ceil_to(E, _NW * _CHUNK * _NBUF)
    CT = Ep // _CHUNK

    src = edge_index[0]
    dst = edge_index[1]
    pad = Ep - E
    if pad:
        src = jnp.concatenate([src, jnp.zeros((pad,), jnp.int32)])
        edge_type = jnp.concatenate([edge_type, jnp.zeros((pad,), jnp.int32)])
        dst = jnp.concatenate([dst, jnp.full((pad,), NP - 1, jnp.int32)])

    src_r = src.reshape(CT, _CHUNK)
    et_r = edge_type.reshape(CT, _CHUNK)
    dst_r = dst.reshape(CT, _CHUNK)

    gidx = _edge_indices(src_r, et_r, N)
    packed = jnp.stack([gidx, dst_r], axis=1)

    H = _relation_transform(node_states, W_rel)
    agg_p, deg_p = _sc_aggregate(H, packed, NP, D)
    deg = _deg_sum(deg_p, NP)
    selfed = _self_transform(node_states, W_self, b_self.reshape(1, D))
    return _finalize(selfed, agg_p, deg)

# --- scband reference (transcript-rebuilt; emitter-appended) ---
"""Pipeline reference for scband-simple-rgcnlayer-72756745994393 (READ-ONLY COPY).

The authoritative reference and input builder live on the scoring server;
editing this copy changes nothing except your own understanding.
"""

import jax, jax.numpy as jnp
import numpy as np

N = 10000
E = 320000
D = 128
R = 8


def setup_inputs(seed: int = 0) -> dict:
    key = jax.random.key(seed)
    k1, k2, k3, k4, k5, k6 = jax.random.split(key, 6)
    node_states = jax.random.normal(k1, (N, D), dtype=jnp.float32)
    edge_index = jax.random.randint(k2, (2, E), 0, N, dtype=jnp.int32)
    edge_type = jax.random.randint(k3, (E,), 0, R, dtype=jnp.int32)
    W_self = jax.random.normal(k4, (D, D), dtype=jnp.float32) * 0.05
    b_self = jax.random.normal(k5, (D,), dtype=jnp.float32) * 0.05
    W_rel = jax.random.normal(k6, (R, D, D), dtype=jnp.float32) * 0.05
    return {
        "node_states": node_states,
        "edge_index": edge_index,
        "edge_type": edge_type,
        "W_self": W_self,
        "b_self": b_self,
        "W_rel": W_rel,
    }


def reference(node_states, edge_index, edge_type, W_self, b_self, W_rel):
    # Faithful translation of SimpleRGCNLayer.forward (dropout p=0.0 -> identity).
    src = edge_index[0]
    dst = edge_index[1]
    agg = jnp.zeros_like(node_states)
    # Loop over relations (static R); mask edges belonging to each relation.
    for r in range(W_rel.shape[0]):
        mask = (edge_type == r).astype(node_states.dtype)[:, None]
        # messages = Linear_r(node_states[src]) for edges of relation r
        msg = (node_states[src] @ W_rel[r].T) * mask
        agg = agg.at[dst].add(msg)
    # degree counts every edge exactly once across all relation iterations
    deg = jnp.zeros((node_states.shape[0], 1), dtype=node_states.dtype).at[dst].add(1.0)
    agg = agg / jnp.clip(deg, 1.0, None)
    out = jnp.maximum(node_states @ W_self.T + b_self + agg, 0.0)
    return out

if __name__ == "__main__":
    import jax
    _d = setup_inputs()
    print(jax.jit(kernel)(*tuple(_d.values())))

</pallas_src>

<mosaic_0001>
#map = affine_map<(d0, d1) -> (0, 0)>
#map1 = affine_map<(d0, d1) -> (0, 0, 0)>
module attributes {stable_mosaic.version = 14 : i64} {
  func.func @k(%arg0: i32, %arg1: i32, %arg2: memref<80000x128xf32, #tpu.memory_space<hbm>>, %arg3: memref<2560x2x128xi32, #tpu.memory_space<hbm>>, %arg4: memref<10240x128xf32, #tpu.memory_space<hbm>>, %arg5: memref<16x10240xf32, #tpu.memory_space<hbm>>, %arg6: memref<2x128xi32, #tpu.memory_space<vmem>>, %arg7: memref<2x128xi32, #tpu.memory_space<vmem>>, %arg8: memref<128x128xf32, #tpu.memory_space<vmem>>, %arg9: memref<128x128xf32, #tpu.memory_space<vmem>>, %arg10: memref<10240xf32, #tpu.memory_space<vmem>>, %arg11: memref<10240x128xf32, #tpu.memory_space<vmem_shared>>, %arg12: memref<!tpu.dma_semaphore, #tpu.memory_space<semaphore_mem>>, %arg13: memref<!tpu.dma_semaphore, #tpu.memory_space<semaphore_mem>>, %arg14: memref<!tpu.dma_semaphore, #tpu.memory_space<semaphore_mem>>, %arg15: memref<!tpu.dma_semaphore, #tpu.memory_space<semaphore_mem>>) attributes {dimension_semantics = [#tpu.dimension_semantics<core_parallel>, #tpu.dimension_semantics<subcore_parallel>], iteration_bounds = array<i64: 2, 16>, scalar_prefetch = 0 : i64, scratch_operands = 10 : i64, tpu.core_type = #tpu.core_type<sc_vector_subcore>, window_params = [{transform_indices = #map}, {transform_indices = #map1}, {transform_indices = #map}, {transform_indices = #map}]} {
    %broadcast_in_dim3A = arith.constant 0.000000e+00 : f32
    %broadcast_in_dim3A_0 = vector.broadcast %broadcast_in_dim3A : f32 to vector<16xf32>
    %broadcast_in_dim3A_1 = arith.constant 1.000000e+00 : f32
    %broadcast_in_dim3A_2 = vector.broadcast %broadcast_in_dim3A_1 : f32 to vector<16xf32>
    %eq3A = arith.constant 0 : i32
    %eq3A_3 = arith.cmpi eq, %arg0, %eq3A : i32
    %convert_element_type3A = arith.extui %eq3A_3 : i1 to i32
    %cond3A = arith.constant 0 : i32
    %cond3A_4 = arith.cmpi ne, %convert_element_type3A, %cond3A : i32
    scf.if %cond3A_4 {
      %scan3A = arith.constant 0 : i32
      %scan3A_5 = arith.constant 640 : i32
      %scan3A_6 = arith.addi %scan3A, %scan3A_5 : i32
      %scan3A_7 = arith.constant 1 : i32
      scf.for %scan3A_48 = %scan3A to %scan3A_6 step %scan3A_7  : i32 {
        %mul3A_49 = arith.constant 16 : i32
        %mul3A_50 = arith.muli %scan3A_48, %mul3A_49 : i32
        %add3A_51 = arith.constant 0 : i32
        %add3A_52 = arith.addi %add3A_51, %mul3A_50 : i32
        %swap3A = arith.index_cast %add3A_52 : i32 to index
        %swap3A_53 = tpu.vector_load %arg10[%swap3A] {strides = array<i32>} : memref<10240xf32, #tpu.memory_space<vmem>>, vector<16xf32>,
        tpu.vector_store %arg10[%swap3A], %broadcast_in_dim3A_0 {strides = array<i32>} : memref<10240xf32, #tpu.memory_space<vmem>>, vector<16xf32>,
      }
      %scan3A_8 = arith.constant 640 : i32
      %scan3A_9 = arith.constant 0 : i32
      %scan3A_10 = arith.constant 128 : i32
      %scan3A_11 = arith.addi %scan3A_9, %scan3A_10 : i32
      %scan3A_12 = arith.constant 1 : i32
      scf.for %scan3A_48 = %scan3A_9 to %scan3A_11 step %scan3A_12  : i32 {
        %mul3A_49 = arith.constant 1 : i32
        %mul3A_50 = arith.muli %scan3A_48, %mul3A_49 : i32
        %add3A_51 = arith.constant 0 : i32
        %add3A_52 = arith.addi %add3A_51, %mul3A_50 : i32
        %scan3A_53 = arith.constant 0 : i32
        %scan3A_54 = arith.constant 8 : i32
        %scan3A_55 = arith.addi %scan3A_53, %scan3A_54 : i32
        %scan3A_56 = arith.constant 1 : i32
        scf.for %scan3A_58 = %scan3A_53 to %scan3A_55 step %scan3A_56  : i32 {
          %mul3A_59 = arith.constant 16 : i32
          %mul3A_60 = arith.muli %scan3A_58, %mul3A_59 : i32
          %add3A_61 = arith.constant 0 : i32
          %add3A_62 = arith.addi %add3A_61, %mul3A_60 : i32
          %swap3A = arith.index_cast %add3A_52 : i32 to index
          %swap3A_63 = arith.index_cast %add3A_62 : i32 to index
          %swap3A_64 = tpu.vector_load %arg8[%swap3A, %swap3A_63] {strides = array<i32>} : memref<128x128xf32, #tpu.memory_space<vmem>>, vector<16xf32>,
          tpu.vector_store %arg8[%swap3A, %swap3A_63], %broadcast_in_dim3A_0 {strides = array<i32>} : memref<128x128xf32, #tpu.memory_space<vmem>>, vector<16xf32>,
        }
        %scan3A_57 = arith.constant 8 : i32
      }
      %scan3A_13 = arith.constant 128 : i32
      %mul3A = arith.constant 640 : i32
      %mul3A_14 = arith.muli %arg1, %mul3A : i32
      %add3A = arith.constant 0 : i32
      %add3A_15 = arith.addi %mul3A_14, %add3A : i32
      "tpu.region"() ({
        %run_scoped3A = tpu.sem_alloc : memref<!tpu.dma_semaphore, #tpu.memory_space<semaphore_mem>>
        %dma_start3A_48 = arith.constant 0 : i32
        %dma_start3A_49 = tpu.memref_slice %arg11[%add3A_15, %dma_start3A_48] : memref<10240x128xf32, #tpu.memory_space<vmem_shared>> -> memref<128x128xf32, #tpu.memory_space<vmem_shared>>
        %dma_start3A_50 = arith.constant 0 : i32
        %dma_start3A_51 = tpu.memref_slice %arg11[%add3A_15, %dma_start3A_50] : memref<10240x128xf32, #tpu.memory_space<vmem_shared>> -> memref<128x128xf32, #tpu.memory_space<vmem_shared>>
        tpu.enqueue_dma source(%arg8 : memref<128x128xf32, #tpu.memory_space<vmem>>) target(%dma_start3A_51 : memref<128x128xf32, #tpu.memory_space<vmem_shared>>) target_semaphore(%run_scoped3A : memref<!tpu.dma_semaphore, #tpu.memory_space<semaphore_mem>>)
        %dma_wait3A = arith.constant 0 : i32
        %dma_wait3A_52 = tpu.memref_slice %arg11[%add3A_15, %dma_wait3A] : memref<10240x128xf32, #tpu.memory_space<vmem_shared>> -> memref<128x128xf32, #tpu.memory_space<vmem_shared>>
        %dma_wait3A_53 = arith.constant 0 : i32
        %dma_wait3A_54 = tpu.memref_slice %arg11[%add3A_15, %dma_wait3A_53] : memref<10240x128xf32, #tpu.memory_space<vmem_shared>> -> memref<128x128xf32, #tpu.memory_space<vmem_shared>>
        tpu.wait_dma2 semaphore(%run_scoped3A : memref<!tpu.dma_semaphore, #tpu.memory_space<semaphore_mem>>) src(%arg8 : memref<128x128xf32, #tpu.memory_space<vmem>>) dst(%dma_wait3A_54 : memref<128x128xf32, #tpu.memory_space<vmem_shared>>)
        tpu.yield
      }) : () -> ()
      %add3A_16 = arith.constant 128 : i32
      %add3A_17 = arith.addi %mul3A_14, %add3A_16 : i32
      "tpu.region"() ({
        %run_scoped3A = tpu.sem_alloc : memref<!tpu.dma_semaphore, #tpu.memory_space<semaphore_mem>>
        %dma_start3A_48 = arith.constant 0 : i32
        %dma_start3A_49 = tpu.memref_slice %arg11[%add3A_17, %dma_start3A_48] : memref<10240x128xf32, #tpu.memory_space<vmem_shared>> -> memref<128x128xf32, #tpu.memory_space<vmem_shared>>
        %dma_start3A_50 = arith.constant 0 : i32
        %dma_start3A_51 = tpu.memref_slice %arg11[%add3A_17, %dma_start3A_50] : memref<10240x128xf32, #tpu.memory_space<vmem_shared>> -> memref<128x128xf32, #tpu.memory_space<vmem_shared>>
        tpu.enqueue_dma source(%arg8 : memref<128x128xf32, #tpu.memory_space<vmem>>) target(%dma_start3A_51 : memref<128x128xf32, #tpu.memory_space<vmem_shared>>) target_semaphore(%run_scoped3A : memref<!tpu.dma_semaphore, #tpu.memory_space<semaphore_mem>>)
        %dma_wait3A = arith.constant 0 : i32
        %dma_wait3A_52 = tpu.memref_slice %arg11[%add3A_17, %dma_wait3A] : memref<10240x128xf32, #tpu.memory_space<vmem_shared>> -> memref<128x128xf32, #tpu.memory_space<vmem_shared>>
        %dma_wait3A_53 = arith.constant 0 : i32
        %dma_wait3A_54 = tpu.memref_slice %arg11[%add3A_17, %dma_wait3A_53] : memref<10240x128xf32, #tpu.memory_space<vmem_shared>> -> memref<128x128xf32, #tpu.memory_space<vmem_shared>>
        tpu.wait_dma2 semaphore(%run_scoped3A : memref<!tpu.dma_semaphore, #tpu.memory_space<semaphore_mem>>) src(%arg8 : memref<128x128xf32, #tpu.memory_space<vmem>>) dst(%dma_wait3A_54 : memref<128x128xf32, #tpu.memory_space<vmem_shared>>)
        tpu.yield
      }) : () -> ()
      %add3A_18 = arith.constant 256 : i32
      %add3A_19 = arith.addi %mul3A_14, %add3A_18 : i32
      "tpu.region"() ({
        %run_scoped3A = tpu.sem_alloc : memref<!tpu.dma_semaphore, #tpu.memory_space<semaphore_mem>>
        %dma_start3A_48 = arith.constant 0 : i32
        %dma_start3A_49 = tpu.memref_slice %arg11[%add3A_19, %dma_start3A_48] : memref<10240x128xf32, #tpu.memory_space<vmem_shared>> -> memref<128x128xf32, #tpu.memory_space<vmem_shared>>
        %dma_start3A_50 = arith.constant 0 : i32
        %dma_start3A_51 = tpu.memref_slice %arg11[%add3A_19, %dma_start3A_50] : memref<10240x128xf32, #tpu.memory_space<vmem_shared>> -> memref<128x128xf32, #tpu.memory_space<vmem_shared>>
        tpu.enqueue_dma source(%arg8 : memref<128x128xf32, #tpu.memory_space<vmem>>) target(%dma_start3A_51 : memref<128x128xf32, #tpu.memory_space<vmem_shared>>) target_semaphore(%run_scoped3A : memref<!tpu.dma_semaphore, #tpu.memory_space<semaphore_mem>>)
        %dma_wait3A = arith.constant 0 : i32
        %dma_wait3A_52 = tpu.memref_slice %arg11[%add3A_19, %dma_wait3A] : memref<10240x128xf32, #tpu.memory_space<vmem_shared>> -> memref<128x128xf32, #tpu.memory_space<vmem_shared>>
        %dma_wait3A_53 = arith.constant 0 : i32
        %dma_wait3A_54 = tpu.memref_slice %arg11[%add3A_19, %dma_wait3A_53] : memref<10240x128xf32, #tpu.memory_space<vmem_shared>> -> memref<128x128xf32, #tpu.memory_space<vmem_shared>>
        tpu.wait_dma2 semaphore(%run_scoped3A : memref<!tpu.dma_semaphore, #tpu.memory_space<semaphore_mem>>) src(%arg8 : memref<128x128xf32, #tpu.memory_space<vmem>>) dst(%dma_wait3A_54 : memref<128x128xf32, #tpu.memory_space<vmem_shared>>)
        tpu.yield
      }) : () -> ()
      %add3A_20 = arith.constant 384 : i32
      %add3A_21 = arith.addi %mul3A_14, %add3A_20 : i32
      "tpu.region"() ({
        %run_scoped3A = tpu.sem_alloc : memref<!tpu.dma_semaphore, #tpu.memory_space<semaphore_mem>>
        %dma_start3A_48 = arith.constant 0 : i32
        %dma_start3A_49 = tpu.memref_slice %arg11[%add3A_21, %dma_start3A_48] : memref<10240x128xf32, #tpu.memory_space<vmem_shared>> -> memref<128x128xf32, #tpu.memory_space<vmem_shared>>
        %dma_start3A_50 = arith.constant 0 : i32
        %dma_start3A_51 = tpu.memref_slice %arg11[%add3A_21, %dma_start3A_50] : memref<10240x128xf32, #tpu.memory_space<vmem_shared>> -> memref<128x128xf32, #tpu.memory_space<vmem_shared>>
        tpu.enqueue_dma source(%arg8 : memref<128x128xf32, #tpu.memory_space<vmem>>) target(%dma_start3A_51 : memref<128x128xf32, #tpu.memory_space<vmem_shared>>) target_semaphore(%run_scoped3A : memref<!tpu.dma_semaphore, #tpu.memory_space<semaphore_mem>>)
        %dma_wait3A = arith.constant 0 : i32
        %dma_wait3A_52 = tpu.memref_slice %arg11[%add3A_21, %dma_wait3A] : memref<10240x128xf32, #tpu.memory_space<vmem_shared>> -> memref<128x128xf32, #tpu.memory_space<vmem_shared>>
        %dma_wait3A_53 = arith.constant 0 : i32
        %dma_wait3A_54 = tpu.memref_slice %arg11[%add3A_21, %dma_wait3A_53] : memref<10240x128xf32, #tpu.memory_space<vmem_shared>> -> memref<128x128xf32, #tpu.memory_space<vmem_shared>>
        tpu.wait_dma2 semaphore(%run_scoped3A : memref<!tpu.dma_semaphore, #tpu.memory_space<semaphore_mem>>) src(%arg8 : memref<128x128xf32, #tpu.memory_space<vmem>>) dst(%dma_wait3A_54 : memref<128x128xf32, #tpu.memory_space<vmem_shared>>)
        tpu.yield
      }) : () -> ()
      %add3A_22 = arith.constant 512 : i32
      %add3A_23 = arith.addi %mul3A_14, %add3A_22 : i32
      "tpu.region"() ({
        %run_scoped3A = tpu.sem_alloc : memref<!tpu.dma_semaphore, #tpu.memory_space<semaphore_mem>>
        %dma_start3A_48 = arith.constant 0 : i32
        %dma_start3A_49 = tpu.memref_slice %arg11[%add3A_23, %dma_start3A_48] : memref<10240x128xf32, #tpu.memory_space<vmem_shared>> -> memref<128x128xf32, #tpu.memory_space<vmem_shared>>
        %dma_start3A_50 = arith.constant 0 : i32
        %dma_start3A_51 = tpu.memref_slice %arg11[%add3A_23, %dma_start3A_50] : memref<10240x128xf32, #tpu.memory_space<vmem_shared>> -> memref<128x128xf32, #tpu.memory_space<vmem_shared>>
        tpu.enqueue_dma source(%arg8 : memref<128x128xf32, #tpu.memory_space<vmem>>) target(%dma_start3A_51 : memref<128x128xf32, #tpu.memory_space<vmem_shared>>) target_semaphore(%run_scoped3A : memref<!tpu.dma_semaphore, #tpu.memory_space<semaphore_mem>>)
        %dma_wait3A = arith.constant 0 : i32
        %dma_wait3A_52 = tpu.memref_slice %arg11[%add3A_23, %dma_wait3A] : memref<10240x128xf32, #tpu.memory_space<vmem_shared>> -> memref<128x128xf32, #tpu.memory_space<vmem_shared>>
        %dma_wait3A_53 = arith.constant 0 : i32
        %dma_wait3A_54 = tpu.memref_slice %arg11[%add3A_23, %dma_wait3A_53] : memref<10240x128xf32, #tpu.memory_space<vmem_shared>> -> memref<128x128xf32, #tpu.memory_space<vmem_shared>>
        tpu.wait_dma2 semaphore(%run_scoped3A : memref<!tpu.dma_semaphore, #tpu.memory_space<semaphore_mem>>) src(%arg8 : memref<128x128xf32, #tpu.memory_space<vmem>>) dst(%dma_wait3A_54 : memref<128x128xf32, #tpu.memory_space<vmem_shared>>)
        tpu.yield
      }) : () -> ()
      %barrier3A = arith.constant 0 : index
      tpu.barrier barrier_id(%barrier3A)
      %mul3A_24 = arith.constant 160 : i32
      %mul3A_25 = arith.muli %arg1, %mul3A_24 : i32
      "tpu.region"() ({
        %run_scoped3A = tpu.sem_alloc : memref<!tpu.dma_semaphore, #tpu.memory_space<semaphore_mem>>
        %dma_start3A_48 = arith.constant 0 : i32
        %dma_start3A_49 = arith.constant 0 : i32
        %dma_start3A_50 = tpu.memref_slice %arg3[%mul3A_25, %dma_start3A_48, %dma_start3A_49] : memref<2560x2x128xi32, #tpu.memory_space<hbm>> -> memref<1x2x128xi32, #tpu.memory_space<hbm>>
        %dma_start3A_51 = tpu.memref_squeeze %dma_start3A_50 : memref<1x2x128xi32, #tpu.memory_space<hbm>> -> memref<2x128xi32, #tpu.memory_space<hbm>>
        %dma_start3A_52 = arith.constant 0 : i32
        %dma_start3A_53 = arith.constant 0 : i32
        %dma_start3A_54 = tpu.memref_slice %arg3[%mul3A_25, %dma_start3A_52, %dma_start3A_53] : memref<2560x2x128xi32, #tpu.memory_space<hbm>> -> memref<1x2x128xi32, #tpu.memory_space<hbm>>
        %dma_start3A_55 = tpu.memref_squeeze %dma_start3A_54 : memref<1x2x128xi32, #tpu.memory_space<hbm>> -> memref<2x128xi32, #tpu.memory_space<hbm>>
        tpu.enqueue_dma source(%dma_start3A_55 : memref<2x128xi32, #tpu.memory_space<hbm>>) target(%arg6 : memref<2x128xi32, #tpu.memory_space<vmem>>) target_semaphore(%run_scoped3A : memref<!tpu.dma_semaphore, #tpu.memory_space<semaphore_mem>>)
        %dma_wait3A = arith.constant 0 : i32
        %dma_wait3A_56 = arith.constant 0 : i32
        %dma_wait3A_57 = tpu.memref_slice %arg3[%mul3A_25, %dma_wait3A, %dma_wait3A_56] : memref<2560x2x128xi32, #tpu.memory_space<hbm>> -> memref<1x2x128xi32, #tpu.memory_space<hbm>>
        %dma_wait3A_58 = tpu.memref_squeeze %dma_wait3A_57 : memref<1x2x128xi32, #tpu.memory_space<hbm>> -> memref<2x128xi32, #tpu.memory_space<hbm>>
        %dma_wait3A_59 = arith.constant 0 : i32
        %dma_wait3A_60 = arith.constant 0 : i32
        %dma_wait3A_61 = tpu.memref_slice %arg3[%mul3A_25, %dma_wait3A_59, %dma_wait3A_60] : memref<2560x2x128xi32, #tpu.memory_space<hbm>> -> memref<1x2x128xi32, #tpu.memory_space<hbm>>
        %dma_wait3A_62 = tpu.memref_squeeze %dma_wait3A_61 : memref<1x2x128xi32, #tpu.memory_space<hbm>> -> memref<2x128xi32, #tpu.memory_space<hbm>>
        tpu.wait_dma2 semaphore(%run_scoped3A : memref<!tpu.dma_semaphore, #tpu.memory_space<semaphore_mem>>) src(%dma_wait3A_62 : memref<2x128xi32, #tpu.memory_space<hbm>>) dst(%arg6 : memref<2x128xi32, #tpu.memory_space<vmem>>)
        tpu.yield
      }) : () -> ()
      %add3A_26 = arith.constant 1 : i32
      %add3A_27 = arith.addi %mul3A_25, %add3A_26 : i32
      %dma_start3A = arith.constant 0 : i32
      %dma_start3A_28 = arith.constant 0 : i32
      %dma_start3A_29 = tpu.memref_slice %arg3[%add3A_27, %dma_start3A, %dma_start3A_28] : memref<2560x2x128xi32, #tpu.memory_space<hbm>> -> memref<1x2x128xi32, #tpu.memory_space<hbm>>
      %dma_start3A_30 = tpu.memref_squeeze %dma_start3A_29 : memref<1x2x128xi32, #tpu.memory_space<hbm>> -> memref<2x128xi32, #tpu.memory_space<hbm>>
      %dma_start3A_31 = arith.constant 0 : i32
      %dma_start3A_32 = arith.constant 0 : i32
      %dma_start3A_33 = tpu.memref_slice %arg3[%add3A_27, %dma_start3A_31, %dma_start3A_32] : memref<2560x2x128xi32, #tpu.memory_space<hbm>> -> memref<1x2x128xi32, #tpu.memory_space<hbm>>
      %dma_start3A_34 = tpu.memref_squeeze %dma_start3A_33 : memref<1x2x128xi32, #tpu.memory_space<hbm>> -> memref<2x128xi32, #tpu.memory_space<hbm>>
      tpu.enqueue_dma source(%dma_start3A_34 : memref<2x128xi32, #tpu.memory_space<hbm>>) target(%arg7 : memref<2x128xi32, #tpu.memory_space<vmem>>) target_semaphore(%arg13 : memref<!tpu.dma_semaphore, #tpu.memory_space<semaphore_mem>>)
      %dma_start3A_35 = arith.constant 0 : i32
      %dma_start3A_36 = arith.constant 0 : i32
      %dma_start3A_37 = tpu.memref_slice %arg6[%dma_start3A_35, %dma_start3A_36] : memref<2x128xi32, #tpu.memory_space<vmem>> -> memref<1x128xi32, #tpu.memory_space<vmem>>
      %dma_start3A_38 = tpu.memref_squeeze %dma_start3A_37 : memref<1x128xi32, #tpu.memory_space<vmem>> -> memref<128xi32, #tpu.memory_space<vmem>>
      %dma_start3A_39 = arith.constant 0 : i32
      %dma_start3A_40 = arith.constant 0 : i32
      %dma_start3A_41 = tpu.memref_slice %arg2[%dma_start3A_39, %dma_start3A_40] : memref<80000x128xf32, #tpu.memory_space<hbm>> -> memref<80000x128xf32, #tpu.memory_space<hbm>>
      tpu.enqueue_indirect_dma source(%dma_start3A_41 : memref<80000x128xf32, #tpu.memory_space<hbm>>) target(%arg8 : memref<128x128xf32, #tpu.memory_space<vmem>>) offsets(%dma_start3A_38 : memref<128xi32, #tpu.memory_space<vmem>>) semaphore(%arg14 : memref<!tpu.dma_semaphore, #tpu.memory_space<semaphore_mem>>)
      %scan3A_42 = arith.constant 0 : i32
      %scan3A_43 = arith.constant 80 : i32
      %scan3A_44 = arith.addi %scan3A_42, %scan3A_43 : i32
      %scan3A_45 = arith.constant 1 : i32
      scf.for %scan3A_48 = %scan3A_42 to %scan3A_44 step %scan3A_45  : i32 {
        %mul3A_49 = arith.constant 2 : i32
        %mul3A_50 = arith.muli %scan3A_48, %mul3A_49 : i32
        %add3A_51 = arith.constant 0 : i32
        %add3A_52 = arith.addi %add3A_51, %mul3A_50 : i32
        %add3A_53 = arith.constant 0 : i32
        %add3A_54 = arith.addi %add3A_52, %add3A_53 : i32
        %dma_wait3A = arith.constant 0 : i32
        %dma_wait3A_55 = arith.constant 0 : i32
        %dma_wait3A_56 = tpu.memref_slice %arg6[%dma_wait3A, %dma_wait3A_55] : memref<2x128xi32, #tpu.memory_space<vmem>> -> memref<1x128xi32, #tpu.memory_space<vmem>>
        %dma_wait3A_57 = tpu.memref_squeeze %dma_wait3A_56 : memref<1x128xi32, #tpu.memory_space<vmem>> -> memref<128xi32, #tpu.memory_space<vmem>>
        %dma_wait3A_58 = arith.constant 0 : i32
        %dma_wait3A_59 = arith.constant 0 : i32
        %dma_wait3A_60 = tpu.memref_slice %arg2[%dma_wait3A_58, %dma_wait3A_59] : memref<80000x128xf32, #tpu.memory_space<hbm>> -> memref<80000x128xf32, #tpu.memory_space<hbm>>
        tpu.wait_indirect_dma semaphore(%arg14 : memref<!tpu.dma_semaphore, #tpu.memory_space<semaphore_mem>>) src(%dma_wait3A_60 : memref<80000x128xf32, #tpu.memory_space<hbm>>) dst(%arg8 : memref<128x128xf32, #tpu.memory_space<vmem>>)
        %add3A_61 = arith.constant 1 : i32
        %add3A_62 = arith.addi %add3A_54, %add3A_61 : i32
        %lt3A = arith.constant 160 : i32
        %lt3A_63 = arith.cmpi slt, %add3A_62, %lt3A : i32
        %convert_element_type3A_64 = arith.extui %lt3A_63 : i1 to i32
        %cond3A_65 = arith.constant 0 : i32
        %cond3A_66 = arith.cmpi ne, %convert_element_type3A_64, %cond3A_65 : i32
        scf.if %cond3A_66 {
          %add3A_161 = arith.addi %mul3A_25, %add3A_54 : i32
          %add3A_162 = arith.constant 1 : i32
          %add3A_163 = arith.addi %add3A_161, %add3A_162 : i32
          %dma_wait3A_164 = arith.constant 0 : i32
          %dma_wait3A_165 = arith.constant 0 : i32
          %dma_wait3A_166 = tpu.memref_slice %arg3[%add3A_163, %dma_wait3A_164, %dma_wait3A_165] : memref<2560x2x128xi32, #tpu.memory_space<hbm>> -> memref<1x2x128xi32, #tpu.memory_space<hbm>>
          %dma_wait3A_167 = tpu.memref_squeeze %dma_wait3A_166 : memref<1x2x128xi32, #tpu.memory_space<hbm>> -> memref<2x128xi32, #tpu.memory_space<hbm>>
          %dma_wait3A_168 = arith.constant 0 : i32
          %dma_wait3A_169 = arith.constant 0 : i32
          %dma_wait3A_170 = tpu.memref_slice %arg3[%add3A_163, %dma_wait3A_168, %dma_wait3A_169] : memref<2560x2x128xi32, #tpu.memory_space<hbm>> -> memref<1x2x128xi32, #tpu.memory_space<hbm>>
          %dma_wait3A_171 = tpu.memref_squeeze %dma_wait3A_170 : memref<1x2x128xi32, #tpu.memory_space<hbm>> -> memref<2x128xi32, #tpu.memory_space<hbm>>
          tpu.wait_dma2 semaphore(%arg13 : memref<!tpu.dma_semaphore, #tpu.memory_space<semaphore_mem>>) src(%dma_wait3A_171 : memref<2x128xi32, #tpu.memory_space<hbm>>) dst(%arg7 : memref<2x128xi32, #tpu.memory_space<vmem>>)
          %dma_start3A_172 = arith.constant 0 : i32
          %dma_start3A_173 = arith.constant 0 : i32
          %dma_start3A_174 = tpu.memref_slice %arg7[%dma_start3A_172, %dma_start3A_173] : memref<2x128xi32, #tpu.memory_space<vmem>> -> memref<1x128xi32, #tpu.memory_space<vmem>>
          %dma_start3A_175 = tpu.memref_squeeze %dma_start3A_174 : memref<1x128xi32, #tpu.memory_space<vmem>> -> memref<128xi32, #tpu.memory_space<vmem>>
          %dma_start3A_176 = arith.constant 0 : i32
          %dma_start3A_177 = arith.constant 0 : i32
          %dma_start3A_178 = tpu.memref_slice %arg2[%dma_start3A_176, %dma_start3A_177] : memref<80000x128xf32, #tpu.memory_space<hbm>> -> memref<80000x128xf32, #tpu.memory_space<hbm>>
          tpu.enqueue_indirect_dma source(%dma_start3A_178 : memref<80000x128xf32, #tpu.memory_space<hbm>>) target(%arg9 : memref<128x128xf32, #tpu.memory_space<vmem>>) offsets(%dma_start3A_175 : memref<128xi32, #tpu.memory_space<vmem>>) semaphore(%arg15 : memref<!tpu.dma_semaphore, #tpu.memory_space<semaphore_mem>>)
        } else {
        }
        %run_scoped3A = arith.constant 1 : i32
        "tpu.region"() ({
          %run_scoped3A_161 = tpu.sem_alloc : memref<!tpu.dma_semaphore, #tpu.memory_space<semaphore_mem>>
          %dma_start3A_162 = arith.constant 0 : i32
          %dma_start3A_163 = tpu.memref_slice %arg6[%run_scoped3A, %dma_start3A_162] : memref<2x128xi32, #tpu.memory_space<vmem>> -> memref<1x128xi32, #tpu.memory_space<vmem>>
          %dma_start3A_164 = tpu.memref_squeeze %dma_start3A_163 : memref<1x128xi32, #tpu.memory_space<vmem>> -> memref<128xi32, #tpu.memory_space<vmem>>
          %dma_start3A_165 = arith.constant 0 : i32
          %dma_start3A_166 = arith.constant 0 : i32
          %dma_start3A_167 = tpu.memref_slice %arg11[%dma_start3A_165, %dma_start3A_166] : memref<10240x128xf32, #tpu.memory_space<vmem_shared>> -> memref<10240x128xf32, #tpu.memory_space<vmem_shared>>
          tpu.enqueue_indirect_dma source(%arg8 : memref<128x128xf32, #tpu.memory_space<vmem>>) target(%dma_start3A_167 : memref<10240x128xf32, #tpu.memory_space<vmem_shared>>) offsets(%dma_start3A_164 : memref<128xi32, #tpu.memory_space<vmem>>) semaphore(%run_scoped3A_161 : memref<!tpu.dma_semaphore, #tpu.memory_space<semaphore_mem>>) {add = true}
          %dma_wait3A_168 = arith.constant 0 : i32
          %dma_wait3A_169 = tpu.memref_slice %arg6[%run_scoped3A, %dma_wait3A_168] : memref<2x128xi32, #tpu.memory_space<vmem>> -> memref<1x128xi32, #tpu.memory_space<vmem>>
          %dma_wait3A_170 = tpu.memref_squeeze %dma_wait3A_169 : memref<1x128xi32, #tpu.memory_space<vmem>> -> memref<128xi32, #tpu.memory_space<vmem>>
          %dma_wait3A_171 = arith.constant 0 : i32
          %dma_wait3A_172 = arith.constant 0 : i32
          %dma_wait3A_173 = tpu.memref_slice %arg11[%dma_wait3A_171, %dma_wait3A_172] : memref<10240x128xf32, #tpu.memory_space<vmem_shared>> -> memref<10240x128xf32, #tpu.memory_space<vmem_shared>>
          tpu.wait_indirect_dma semaphore(%run_scoped3A_161 : memref<!tpu.dma_semaphore, #tpu.memory_space<semaphore_mem>>) src(%arg8 : memref<128x128xf32, #tpu.memory_space<vmem>>) dst(%dma_wait3A_173 : memref<10240x128xf32, #tpu.memory_space<vmem_shared>>)
          tpu.yield
        }) : () -> ()
        %get3A = arith.constant 1 : i32
        %get3A_67 = arith.index_cast %get3A : i32 to index
        %get3A_68 = arith.constant 0 : index
        %get3A_69 = tpu.vector_load %arg6[%get3A_67, %get3A_68] {strides = array<i32>} : memref<2x128xi32, #tpu.memory_space<vmem>>, vector<16xi32>,
        tpu.vector_store_idx %arg10[%get3A_69], %broadcast_in_dim3A_2 {add = true} : memref<10240xf32, #tpu.memory_space<vmem>>[vector<16xi32>], vector<16xf32>,
        %get3A_70 = arith.constant 1 : i32
        %get3A_71 = arith.index_cast %get3A_70 : i32 to index
        %get3A_72 = arith.constant 16 : index
        %get3A_73 = tpu.vector_load %arg6[%get3A_71, %get3A_72] {strides = array<i32>} : memref<2x128xi32, #tpu.memory_space<vmem>>, vector<16xi32>,
        tpu.vector_store_idx %arg10[%get3A_73], %broadcast_in_dim3A_2 {add = true} : memref<10240xf32, #tpu.memory_space<vmem>>[vector<16xi32>], vector<16xf32>,
        %get3A_74 = arith.constant 1 : i32
        %get3A_75 = arith.index_cast %get3A_74 : i32 to index
        %get3A_76 = arith.constant 32 : index
        %get3A_77 = tpu.vector_load %arg6[%get3A_75, %get3A_76] {strides = array<i32>} : memref<2x128xi32, #tpu.memory_space<vmem>>, vector<16xi32>,
        tpu.vector_store_idx %arg10[%get3A_77], %broadcast_in_dim3A_2 {add = true} : memref<10240xf32, #tpu.memory_space<vmem>>[vector<16xi32>], vector<16xf32>,
        %get3A_78 = arith.constant 1 : i32
        %get3A_79 = arith.index_cast %get3A_78 : i32 to index
        %get3A_80 = arith.constant 48 : index
        %get3A_81 = tpu.vector_load %arg6[%get3A_79, %get3A_80] {strides = array<i32>} : memref<2x128xi32, #tpu.memory_space<vmem>>, vector<16xi32>,
        tpu.vector_store_idx %arg10[%get3A_81], %broadcast_in_dim3A_2 {add = true} : memref<10240xf32, #tpu.memory_space<vmem>>[vector<16xi32>], vector<16xf32>,
        %get3A_82 = arith.constant 1 : i32
        %get3A_83 = arith.index_cast %get3A_82 : i32 to index
        %get3A_84 = arith.constant 64 : index
        %get3A_85 = tpu.vector_load %arg6[%get3A_83, %get3A_84] {strides = array<i32>} : memref<2x128xi32, #tpu.memory_space<vmem>>, vector<16xi32>,
        tpu.vector_store_idx %arg10[%get3A_85], %broadcast_in_dim3A_2 {add = true} : memref<10240xf32, #tpu.memory_space<vmem>>[vector<16xi32>], vector<16xf32>,
        %get3A_86 = arith.constant 1 : i32
        %get3A_87 = arith.index_cast %get3A_86 : i32 to index
        %get3A_88 = arith.constant 80 : index
        %get3A_89 = tpu.vector_load %arg6[%get3A_87, %get3A_88] {strides = array<i32>} : memref<2x128xi32, #tpu.memory_space<vmem>>, vector<16xi32>,
        tpu.vector_store_idx %arg10[%get3A_89], %broadcast_in_dim3A_2 {add = true} : memref<10240xf32, #tpu.memory_space<vmem>>[vector<16xi32>], vector<16xf32>,
        %get3A_90 = arith.constant 1 : i32
        %get3A_91 = arith.index_cast %get3A_90 : i32 to index
        %get3A_92 = arith.constant 96 : index
        %get3A_93 = tpu.vector_load %arg6[%get3A_91, %get3A_92] {strides = array<i32>} : memref<2x128xi32, #tpu.memory_space<vmem>>, vector<16xi32>,
        tpu.vector_store_idx %arg10[%get3A_93], %broadcast_in_dim3A_2 {add = true} : memref<10240xf32, #tpu.memory_space<vmem>>[vector<16xi32>], vector<16xf32>,
        %get3A_94 = arith.constant 1 : i32
        %get3A_95 = arith.index_cast %get3A_94 : i32 to index
        %get3A_96 = arith.constant 112 : index
        %get3A_97 = tpu.vector_load %arg6[%get3A_95, %get3A_96] {strides = array<i32>} : memref<2x128xi32, #tpu.memory_space<vmem>>, vector<16xi32>,
        tpu.vector_store_idx %arg10[%get3A_97], %broadcast_in_dim3A_2 {add = true} : memref<10240xf32, #tpu.memory_space<vmem>>[vector<16xi32>], vector<16xf32>,
        %add3A_98 = arith.constant 2 : i32
        %add3A_99 = arith.addi %add3A_54, %add3A_98 : i32
        %lt3A_100 = arith.constant 160 : i32
        %lt3A_101 = arith.cmpi slt, %add3A_99, %lt3A_100 : i32
        %convert_element_type3A_102 = arith.extui %lt3A_101 : i1 to i32
        %cond3A_103 = arith.constant 0 : i32
        %cond3A_104 = arith.cmpi ne, %convert_element_type3A_102, %cond3A_103 : i32
        scf.if %cond3A_104 {
          %add3A_161 = arith.addi %mul3A_25, %add3A_54 : i32
          %add3A_162 = arith.constant 2 : i32
          %add3A_163 = arith.addi %add3A_161, %add3A_162 : i32
          %dma_start3A_164 = arith.constant 0 : i32
          %dma_start3A_165 = arith.constant 0 : i32
          %dma_start3A_166 = tpu.memref_slice %arg3[%add3A_163, %dma_start3A_164, %dma_start3A_165] : memref<2560x2x128xi32, #tpu.memory_space<hbm>> -> memref<1x2x128xi32, #tpu.memory_space<hbm>>
          %dma_start3A_167 = tpu.memref_squeeze %dma_start3A_166 : memref<1x2x128xi32, #tpu.memory_space<hbm>> -> memref<2x128xi32, #tpu.memory_space<hbm>>
          %dma_start3A_168 = arith.constant 0 : i32
          %dma_start3A_169 = arith.constant 0 : i32
          %dma_start3A_170 = tpu.memref_slice %arg3[%add3A_163, %dma_start3A_168, %dma_start3A_169] : memref<2560x2x128xi32, #tpu.memory_space<hbm>> -> memref<1x2x128xi32, #tpu.memory_space<hbm>>
          %dma_start3A_171 = tpu.memref_squeeze %dma_start3A_170 : memref<1x2x128xi32, #tpu.memory_space<hbm>> -> memref<2x128xi32, #tpu.memory_space<hbm>>
          tpu.enqueue_dma source(%dma_start3A_171 : memref<2x128xi32, #tpu.memory_space<hbm>>) target(%arg6 : memref<2x128xi32, #tpu.memory_space<vmem>>) target_semaphore(%arg12 : memref<!tpu.dma_semaphore, #tpu.memory_space<semaphore_mem>>)
        } else {
        }
        %add3A_105 = arith.constant 1 : i32
        %add3A_106 = arith.addi %add3A_52, %add3A_105 : i32
        %dma_wait3A_107 = arith.constant 0 : i32
        %dma_wait3A_108 = arith.constant 0 : i32
        %dma_wait3A_109 = tpu.memref_slice %arg7[%dma_wait3A_107, %dma_wait3A_108] : memref<2x128xi32, #tpu.memory_space<vmem>> -> memref<1x128xi32, #tpu.memory_space<vmem>>
        %dma_wait3A_110 = tpu.memref_squeeze %dma_wait3A_109 : memref<1x128xi32, #tpu.memory_space<vmem>> -> memref<128xi32, #tpu.memory_space<vmem>>
        %dma_wait3A_111 = arith.constant 0 : i32
        %dma_wait3A_112 = arith.constant 0 : i32
        %dma_wait3A_113 = tpu.memref_slice %arg2[%dma_wait3A_111, %dma_wait3A_112] : memref<80000x128xf32, #tpu.memory_space<hbm>> -> memref<80000x128xf32, #tpu.memory_space<hbm>>
        tpu.wait_indirect_dma semaphore(%arg15 : memref<!tpu.dma_semaphore, #tpu.memory_space<semaphore_mem>>) src(%dma_wait3A_113 : memref<80000x128xf32, #tpu.memory_space<hbm>>) dst(%arg9 : memref<128x128xf32, #tpu.memory_space<vmem>>)
        %add3A_114 = arith.constant 1 : i32
        %add3A_115 = arith.addi %add3A_106, %add3A_114 : i32
        %lt3A_116 = arith.constant 160 : i32
        %lt3A_117 = arith.cmpi slt, %add3A_115, %lt3A_116 : i32
        %convert_element_type3A_118 = arith.extui %lt3A_117 : i1 to i32
        %cond3A_119 = arith.constant 0 : i32
        %cond3A_120 = arith.cmpi ne, %convert_element_type3A_118, %cond3A_119 : i32
        scf.if %cond3A_120 {
          %add3A_161 = arith.addi %mul3A_25, %add3A_106 : i32
          %add3A_162 = arith.constant 1 : i32
          %add3A_163 = arith.addi %add3A_161, %add3A_162 : i32
          %dma_wait3A_164 = arith.constant 0 : i32
          %dma_wait3A_165 = arith.constant 0 : i32
          %dma_wait3A_166 = tpu.memref_slice %arg3[%add3A_163, %dma_wait3A_164, %dma_wait3A_165] : memref<2560x2x128xi32, #tpu.memory_space<hbm>> -> memref<1x2x128xi32, #tpu.memory_space<hbm>>
          %dma_wait3A_167 = tpu.memref_squeeze %dma_wait3A_166 : memref<1x2x128xi32, #tpu.memory_space<hbm>> -> memref<2x128xi32, #tpu.memory_space<hbm>>
          %dma_wait3A_168 = arith.constant 0 : i32
          %dma_wait3A_169 = arith.constant 0 : i32
          %dma_wait3A_170 = tpu.memref_slice %arg3[%add3A_163, %dma_wait3A_168, %dma_wait3A_169] : memref<2560x2x128xi32, #tpu.memory_space<hbm>> -> memref<1x2x128xi32, #tpu.memory_space<hbm>>
          %dma_wait3A_171 = tpu.memref_squeeze %dma_wait3A_170 : memref<1x2x128xi32, #tpu.memory_space<hbm>> -> memref<2x128xi32, #tpu.memory_space<hbm>>
          tpu.wait_dma2 semaphore(%arg12 : memref<!tpu.dma_semaphore, #tpu.memory_space<semaphore_mem>>) src(%dma_wait3A_171 : memref<2x128xi32, #tpu.memory_space<hbm>>) dst(%arg6 : memref<2x128xi32, #tpu.memory_space<vmem>>)
          %dma_start3A_172 = arith.constant 0 : i32
          %dma_start3A_173 = arith.constant 0 : i32
          %dma_start3A_174 = tpu.memref_slice %arg6[%dma_start3A_172, %dma_start3A_173] : memref<2x128xi32, #tpu.memory_space<vmem>> -> memref<1x128xi32, #tpu.memory_space<vmem>>
          %dma_start3A_175 = tpu.memref_squeeze %dma_start3A_174 : memref<1x128xi32, #tpu.memory_space<vmem>> -> memref<128xi32, #tpu.memory_space<vmem>>
          %dma_start3A_176 = arith.constant 0 : i32
          %dma_start3A_177 = arith.constant 0 : i32
          %dma_start3A_178 = tpu.memref_slice %arg2[%dma_start3A_176, %dma_start3A_177] : memref<80000x128xf32, #tpu.memory_space<hbm>> -> memref<80000x128xf32, #tpu.memory_space<hbm>>
          tpu.enqueue_indirect_dma source(%dma_start3A_178 : memref<80000x128xf32, #tpu.memory_space<hbm>>) target(%arg8 : memref<128x128xf32, #tpu.memory_space<vmem>>) offsets(%dma_start3A_175 : memref<128xi32, #tpu.memory_space<vmem>>) semaphore(%arg14 : memref<!tpu.dma_semaphore, #tpu.memory_space<semaphore_mem>>)
        } else {
        }
        %run_scoped3A_121 = arith.constant 1 : i32
        "tpu.region"() ({
          %run_scoped3A_161 = tpu.sem_alloc : memref<!tpu.dma_semaphore, #tpu.memory_space<semaphore_mem>>
          %dma_start3A_162 = arith.constant 0 : i32
          %dma_start3A_163 = tpu.memref_slice %arg7[%run_scoped3A_121, %dma_start3A_162] : memref<2x128xi32, #tpu.memory_space<vmem>> -> memref<1x128xi32, #tpu.memory_space<vmem>>
          %dma_start3A_164 = tpu.memref_squeeze %dma_start3A_163 : memref<1x128xi32, #tpu.memory_space<vmem>> -> memref<128xi32, #tpu.memory_space<vmem>>
          %dma_start3A_165 = arith.constant 0 : i32
          %dma_start3A_166 = arith.constant 0 : i32
          %dma_start3A_167 = tpu.memref_slice %arg11[%dma_start3A_165, %dma_start3A_166] : memref<10240x128xf32, #tpu.memory_space<vmem_shared>> -> memref<10240x128xf32, #tpu.memory_space<vmem_shared>>
          tpu.enqueue_indirect_dma source(%arg9 : memref<128x128xf32, #tpu.memory_space<vmem>>) target(%dma_start3A_167 : memref<10240x128xf32, #tpu.memory_space<vmem_shared>>) offsets(%dma_start3A_164 : memref<128xi32, #tpu.memory_space<vmem>>) semaphore(%run_scoped3A_161 : memref<!tpu.dma_semaphore, #tpu.memory_space<semaphore_mem>>) {add = true}
          %dma_wait3A_168 = arith.constant 0 : i32
          %dma_wait3A_169 = tpu.memref_slice %arg7[%run_scoped3A_121, %dma_wait3A_168] : memref<2x128xi32, #tpu.memory_space<vmem>> -> memref<1x128xi32, #tpu.memory_space<vmem>>
          %dma_wait3A_170 = tpu.memref_squeeze %dma_wait3A_169 : memref<1x128xi32, #tpu.memory_space<vmem>> -> memref<128xi32, #tpu.memory_space<vmem>>
          %dma_wait3A_171 = arith.constant 0 : i32
          %dma_wait3A_172 = arith.constant 0 : i32
          %dma_wait3A_173 = tpu.memref_slice %arg11[%dma_wait3A_171, %dma_wait3A_172] : memref<10240x128xf32, #tpu.memory_space<vmem_shared>> -> memref<10240x128xf32, #tpu.memory_space<vmem_shared>>
          tpu.wait_indirect_dma semaphore(%run_scoped3A_161 : memref<!tpu.dma_semaphore, #tpu.memory_space<semaphore_mem>>) src(%arg9 : memref<128x128xf32, #tpu.memory_space<vmem>>) dst(%dma_wait3A_173 : memref<10240x128xf32, #tpu.memory_space<vmem_shared>>)
          tpu.yield
        }) : () -> ()
        %get3A_122 = arith.constant 1 : i32
        %get3A_123 = arith.index_cast %get3A_122 : i32 to index
        %get3A_124 = arith.constant 0 : index
        %get3A_125 = tpu.vector_load %arg7[%get3A_123, %get3A_124] {strides = array<i32>} : memref<2x128xi32, #tpu.memory_space<vmem>>, vector<16xi32>,
        tpu.vector_store_idx %arg10[%get3A_125], %broadcast_in_dim3A_2 {add = true} : memref<10240xf32, #tpu.memory_space<vmem>>[vector<16xi32>], vector<16xf32>,
        %get3A_126 = arith.constant 1 : i32
        %get3A_127 = arith.index_cast %get3A_126 : i32 to index
        %get3A_128 = arith.constant 16 : index
        %get3A_129 = tpu.vector_load %arg7[%get3A_127, %get3A_128] {strides = array<i32>} : memref<2x128xi32, #tpu.memory_space<vmem>>, vector<16xi32>,
        tpu.vector_store_idx %arg10[%get3A_129], %broadcast_in_dim3A_2 {add = true} : memref<10240xf32, #tpu.memory_space<vmem>>[vector<16xi32>], vector<16xf32>,
        %get3A_130 = arith.constant 1 : i32
        %get3A_131 = arith.index_cast %get3A_130 : i32 to index
        %get3A_132 = arith.constant 32 : index
        %get3A_133 = tpu.vector_load %arg7[%get3A_131, %get3A_132] {strides = array<i32>} : memref<2x128xi32, #tpu.memory_space<vmem>>, vector<16xi32>,
        tpu.vector_store_idx %arg10[%get3A_133], %broadcast_in_dim3A_2 {add = true} : memref<10240xf32, #tpu.memory_space<vmem>>[vector<16xi32>], vector<16xf32>,
        %get3A_134 = arith.constant 1 : i32
        %get3A_135 = arith.index_cast %get3A_134 : i32 to index
        %get3A_136 = arith.constant 48 : index
        %get3A_137 = tpu.vector_load %arg7[%get3A_135, %get3A_136] {strides = array<i32>} : memref<2x128xi32, #tpu.memory_space<vmem>>, vector<16xi32>,
        tpu.vector_store_idx %arg10[%get3A_137], %broadcast_in_dim3A_2 {add = true} : memref<10240xf32, #tpu.memory_space<vmem>>[vector<16xi32>], vector<16xf32>,
        %get3A_138 = arith.constant 1 : i32
        %get3A_139 = arith.index_cast %get3A_138 : i32 to index
        %get3A_140 = arith.constant 64 : index
        %get3A_141 = tpu.vector_load %arg7[%get3A_139, %get3A_140] {strides = array<i32>} : memref<2x128xi32, #tpu.memory_space<vmem>>, vector<16xi32>,
        tpu.vector_store_idx %arg10[%get3A_141], %broadcast_in_dim3A_2 {add = true} : memref<10240xf32, #tpu.memory_space<vmem>>[vector<16xi32>], vector<16xf32>,
        %get3A_142 = arith.constant 1 : i32
        %get3A_143 = arith.index_cast %get3A_142 : i32 to index
        %get3A_144 = arith.constant 80 : index
        %get3A_145 = tpu.vector_load %arg7[%get3A_143, %get3A_144] {strides = array<i32>} : memref<2x128xi32, #tpu.memory_space<vmem>>, vector<16xi32>,
        tpu.vector_store_idx %arg10[%get3A_145], %broadcast_in_dim3A_2 {add = true} : memref<10240xf32, #tpu.memory_space<vmem>>[vector<16xi32>], vector<16xf32>,
        %get3A_146 = arith.constant 1 : i32
        %get3A_147 = arith.index_cast %get3A_146 : i32 to index
        %get3A_148 = arith.constant 96 : index
        %get3A_149 = tpu.vector_load %arg7[%get3A_147, %get3A_148] {strides = array<i32>} : memref<2x128xi32, #tpu.memory_space<vmem>>, vector<16xi32>,
        tpu.vector_store_idx %arg10[%get3A_149], %broadcast_in_dim3A_2 {add = true} : memref<10240xf32, #tpu.memory_space<vmem>>[vector<16xi32>], vector<16xf32>,
        %get3A_150 = arith.constant 1 : i32
        %get3A_151 = arith.index_cast %get3A_150 : i32 to index
        %get3A_152 = arith.constant 112 : index
        %get3A_153 = tpu.vector_load %arg7[%get3A_151, %get3A_152] {strides = array<i32>} : memref<2x128xi32, #tpu.memory_space<vmem>>, vector<16xi32>,
        tpu.vector_store_idx %arg10[%get3A_153], %broadcast_in_dim3A_2 {add = true} : memref<10240xf32, #tpu.memory_space<vmem>>[vector<16xi32>], vector<16xf32>,
        %add3A_154 = arith.constant 2 : i32
        %add3A_155 = arith.addi %add3A_106, %add3A_154 : i32
        %lt3A_156 = arith.constant 160 : i32
        %lt3A_157 = arith.cmpi slt, %add3A_155, %lt3A_156 : i32
        %convert_element_type3A_158 = arith.extui %lt3A_157 : i1 to i32
        %cond3A_159 = arith.constant 0 : i32
        %cond3A_160 = arith.cmpi ne, %convert_element_type3A_158, %cond3A_159 : i32
        scf.if %cond3A_160 {
          %add3A_161 = arith.addi %mul3A_25, %add3A_106 : i32
          %add3A_162 = arith.constant 2 : i32
          %add3A_163 = arith.addi %add3A_161, %add3A_162 : i32
          %dma_start3A_164 = arith.constant 0 : i32
          %dma_start3A_165 = arith.constant 0 : i32
          %dma_start3A_166 = tpu.memref_slice %arg3[%add3A_163, %dma_start3A_164, %dma_start3A_165] : memref<2560x2x128xi32, #tpu.memory_space<hbm>> -> memref<1x2x128xi32, #tpu.memory_space<hbm>>
          %dma_start3A_167 = tpu.memref_squeeze %dma_start3A_166 : memref<1x2x128xi32, #tpu.memory_space<hbm>> -> memref<2x128xi32, #tpu.memory_space<hbm>>
          %dma_start3A_168 = arith.constant 0 : i32
          %dma_start3A_169 = arith.constant 0 : i32
          %dma_start3A_170 = tpu.memref_slice %arg3[%add3A_163, %dma_start3A_168, %dma_start3A_169] : memref<2560x2x128xi32, #tpu.memory_space<hbm>> -> memref<1x2x128xi32, #tpu.memory_space<hbm>>
          %dma_start3A_171 = tpu.memref_squeeze %dma_start3A_170 : memref<1x2x128xi32, #tpu.memory_space<hbm>> -> memref<2x128xi32, #tpu.memory_space<hbm>>
          tpu.enqueue_dma source(%dma_start3A_171 : memref<2x128xi32, #tpu.memory_space<hbm>>) target(%arg7 : memref<2x128xi32, #tpu.memory_space<vmem>>) target_semaphore(%arg13 : memref<!tpu.dma_semaphore, #tpu.memory_space<semaphore_mem>>)
        } else {
        }
      }
      %scan3A_46 = arith.constant 80 : i32
      %barrier3A_47 = arith.constant 0 : index
      tpu.barrier barrier_id(%barrier3A_47)
      "tpu.region"() ({
        %run_scoped3A = tpu.sem_alloc : memref<!tpu.dma_semaphore, #tpu.memory_space<semaphore_mem>>
        %dma_start3A_48 = arith.constant 0 : i32
        %dma_start3A_49 = tpu.memref_slice %arg4[%mul3A_14, %dma_start3A_48] : memref<10240x128xf32, #tpu.memory_space<hbm>> -> memref<640x128xf32, #tpu.memory_space<hbm>>
        %dma_start3A_50 = arith.constant 0 : i32
        %dma_start3A_51 = tpu.memref_slice %arg11[%mul3A_14, %dma_start3A_50] : memref<10240x128xf32, #tpu.memory_space<vmem_shared>> -> memref<640x128xf32, #tpu.memory_space<vmem_shared>>
        tpu.enqueue_dma source(%dma_start3A_51 : memref<640x128xf32, #tpu.memory_space<vmem_shared>>) target(%dma_start3A_49 : memref<640x128xf32, #tpu.memory_space<hbm>>) target_semaphore(%run_scoped3A : memref<!tpu.dma_semaphore, #tpu.memory_space<semaphore_mem>>)
        %dma_wait3A = arith.constant 0 : i32
        %dma_wait3A_52 = tpu.memref_slice %arg4[%mul3A_14, %dma_wait3A] : memref<10240x128xf32, #tpu.memory_space<hbm>> -> memref<640x128xf32, #tpu.memory_space<hbm>>
        %dma_wait3A_53 = arith.constant 0 : i32
        %dma_wait3A_54 = tpu.memref_slice %arg11[%mul3A_14, %dma_wait3A_53] : memref<10240x128xf32, #tpu.memory_space<vmem_shared>> -> memref<640x128xf32, #tpu.memory_space<vmem_shared>>
        tpu.wait_dma2 semaphore(%run_scoped3A : memref<!tpu.dma_semaphore, #tpu.memory_space<semaphore_mem>>) src(%dma_wait3A_54 : memref<640x128xf32, #tpu.memory_space<vmem_shared>>) dst(%dma_wait3A_52 : memref<640x128xf32, #tpu.memory_space<hbm>>)
        tpu.yield
      }) : () -> ()
      "tpu.region"() ({
        %run_scoped3A = tpu.sem_alloc : memref<!tpu.dma_semaphore, #tpu.memory_space<semaphore_mem>>
        %dma_start3A_48 = arith.constant 0 : i32
        %dma_start3A_49 = tpu.memref_slice %arg5[%arg1, %dma_start3A_48] : memref<16x10240xf32, #tpu.memory_space<hbm>> -> memref<1x10240xf32, #tpu.memory_space<hbm>>
        %dma_start3A_50 = tpu.memref_squeeze %dma_start3A_49 : memref<1x10240xf32, #tpu.memory_space<hbm>> -> memref<10240xf32, #tpu.memory_space<hbm>>
        %dma_start3A_51 = arith.constant 0 : i32
        %dma_start3A_52 = tpu.memref_slice %arg5[%arg1, %dma_start3A_51] : memref<16x10240xf32, #tpu.memory_space<hbm>> -> memref<1x10240xf32, #tpu.memory_space<hbm>>
        %dma_start3A_53 = tpu.memref_squeeze %dma_start3A_52 : memref<1x10240xf32, #tpu.memory_space<hbm>> -> memref<10240xf32, #tpu.memory_space<hbm>>
        tpu.enqueue_dma source(%arg10 : memref<10240xf32, #tpu.memory_space<vmem>>) target(%dma_start3A_53 : memref<10240xf32, #tpu.memory_space<hbm>>) target_semaphore(%run_scoped3A : memref<!tpu.dma_semaphore, #tpu.memory_space<semaphore_mem>>)
        %dma_wait3A = arith.constant 0 : i32
        %dma_wait3A_54 = tpu.memref_slice %arg5[%arg1, %dma_wait3A] : memref<16x10240xf32, #tpu.memory_space<hbm>> -> memref<1x10240xf32, #tpu.memory_space<hbm>>
        %dma_wait3A_55 = tpu.memref_squeeze %dma_wait3A_54 : memref<1x10240xf32, #tpu.memory_space<hbm>> -> memref<10240xf32, #tpu.memory_space<hbm>>
        %dma_wait3A_56 = arith.constant 0 : i32
        %dma_wait3A_57 = tpu.memref_slice %arg5[%arg1, %dma_wait3A_56] : memref<16x10240xf32, #tpu.memory_space<hbm>> -> memref<1x10240xf32, #tpu.memory_space<hbm>>
        %dma_wait3A_58 = tpu.memref_squeeze %dma_wait3A_57 : memref<1x10240xf32, #tpu.memory_space<hbm>> -> memref<10240xf32, #tpu.memory_space<hbm>>
        tpu.wait_dma2 semaphore(%run_scoped3A : memref<!tpu.dma_semaphore, #tpu.memory_space<semaphore_mem>>) src(%arg10 : memref<10240xf32, #tpu.memory_space<vmem>>) dst(%dma_wait3A_58 : memref<10240xf32, #tpu.memory_space<hbm>>)
        tpu.yield
      }) : () -> ()
    } else {
    }
    return
  }
}

module attributes {stable_mosaic.version = 14 : i64} {
  func.func @body(%arg0: memref<2560x128xi32, #tpu.memory_space<vmem>>, %arg1: memref<2560x128xi32, #tpu.memory_space<vmem>>, %arg2: memref<2560x128xi32, #tpu.memory_space<vmem>>) attributes {dimension_semantics = [], scalar_prefetch = 0 : i64, scratch_operands = 0 : i64, tpu.core_type = #tpu.core_type<tc>} {
    %get3A = arith.constant 0 : index
    %get3A_0 = arith.constant 0 : index
    %get3A_1 = vector.load %arg1[%get3A, %get3A_0] : memref<2560x128xi32, #tpu.memory_space<vmem>>, vector<2560x128xi32>
    %mul3A = arith.constant 10000 : i32
    %mul3A_2 = vector.broadcast %mul3A : i32 to vector<2560x128xi32>
    %mul3A_3 = arith.muli %get3A_1, %mul3A_2 : vector<2560x128xi32>
    %get3A_4 = arith.constant 0 : index
    %get3A_5 = arith.constant 0 : index
    %get3A_6 = vector.load %arg0[%get3A_4, %get3A_5] : memref<2560x128xi32, #tpu.memory_space<vmem>>, vector<2560x128xi32>
    %add3A = arith.addi %mul3A_3, %get3A_6 : vector<2560x128xi32>
    %swap3A = arith.constant 0 : index
    %swap3A_7 = arith.constant 0 : index
    %swap3A_8 = vector.load %arg2[%swap3A, %swap3A_7] : memref<2560x128xi32, #tpu.memory_space<vmem>>, vector<2560x128xi32>
    tpu.vector_store %arg2[%swap3A, %swap3A_7], %add3A {strides = array<i32>} : memref<2560x128xi32, #tpu.memory_space<vmem>>, vector<2560x128xi32>,
    return
  }
}

module attributes {stable_mosaic.version = 14 : i64} {
  func.func @body(%arg0: i32, %arg1: i32, %arg2: memref<2000x128xf32, #tpu.memory_space<vmem>>, %arg3: memref<1x128x128xf32, #tpu.memory_space<vmem>>, %arg4: memref<2000x128xf32, #tpu.memory_space<vmem>>) attributes {dimension_semantics = [#tpu.dimension_semantics<arbitrary>, #tpu.dimension_semantics<arbitrary>], iteration_bounds = array<i64: 8, 5>, scalar_prefetch = 0 : i64, scratch_operands = 0 : i64, tpu.core_type = #tpu.core_type<tc>, window_params = [{transform_indices = @transform_0, window_bounds = array<i64: 2000, 128>}, {transform_indices = @transform_1, window_bounds = array<i64: 1, 128, 128>}, {transform_indices = @transform_2, window_bounds = array<i64: 2000, 128>}]} {
    %get3A = arith.constant 0 : index
    %get3A_0 = arith.constant 0 : index
    %get3A_1 = vector.load %arg2[%get3A, %get3A_0] : memref<2000x128xf32, #tpu.memory_space<vmem>>, vector<2000x128xf32>
    %get3A_2 = arith.constant 0 : index
    %get3A_3 = arith.constant 0 : index
    %get3A_4 = arith.constant 0 : index
    %get3A_5 = vector.load %arg3[%get3A_2, %get3A_3, %get3A_4] : memref<1x128x128xf32, #tpu.memory_space<vmem>>, vector<1x128x128xf32>
    %get3A_6 = vector.shape_cast %get3A_5 : vector<1x128x128xf32> to vector<128x128xf32>
    %dot_general3A = arith.constant dense<0.000000e+00> : vector<2000x128xf32>
    %dot_general3A_7 = tpu.matmul %get3A_1, %get3A_6, %dot_general3A {dimension_numbers = #tpu.dot_dimension_numbers<[1], [1], [0], [0], [0, 0, 1, 0], [], []>, transpose_lhs_hint = false} : vector<2000x128xf32>, vector<128x128xf32>, vector<2000x128xf32> -> vector<2000x128xf32>
    %swap3A = arith.constant 0 : index
    %swap3A_8 = arith.constant 0 : index
    %swap3A_9 = vector.load %arg4[%swap3A, %swap3A_8] : memref<2000x128xf32, #tpu.memory_space<vmem>>, vector<2000x128xf32>
    tpu.vector_store %arg4[%swap3A, %swap3A_8], %dot_general3A_7 {strides = array<i32>} : memref<2000x128xf32, #tpu.memory_space<vmem>>, vector<2000x128xf32>,
    return
  }
  func.func @transform_0(%arg0: i32, %arg1: i32) -> (i32, i32) {
    %c0_i32 = arith.constant 0 : i32
    %c0_i32_0 = arith.constant 0 : i32
    return %arg1, %c0_i32 : i32, i32
  }
  func.func @transform_1(%arg0: i32, %arg1: i32) -> (i32, i32, i32) {
    %c0_i32 = arith.constant 0 : i32
    %c0_i32_0 = arith.constant 0 : i32
    %c0_i32_1 = arith.constant 0 : i32
    return %arg0, %c0_i32, %c0_i32_0 : i32, i32, i32
  }
  func.func @transform_2(%arg0: i32, %arg1: i32) -> (i32, i32) {
    %mul3A = arith.constant 5 : i32
    %mul3A_0 = arith.muli %arg0, %mul3A : i32
    %add3A = arith.addi %mul3A_0, %arg1 : i32
    %c0_i32 = arith.constant 0 : i32
    %c0_i32_1 = arith.constant 0 : i32
    return %add3A, %c0_i32 : i32, i32
  }
}

module attributes {stable_mosaic.version = 14 : i64} {
  func.func @body(%arg0: i32, %arg1: memref<2000x128xf32, #tpu.memory_space<vmem>>, %arg2: memref<128x128xf32, #tpu.memory_space<vmem>>, %arg3: memref<1x128xf32, #tpu.memory_space<vmem>>, %arg4: memref<2000x128xf32, #tpu.memory_space<vmem>>) attributes {dimension_semantics = [#tpu.dimension_semantics<arbitrary>], iteration_bounds = array<i64: 5>, scalar_prefetch = 0 : i64, scratch_operands = 0 : i64, tpu.core_type = #tpu.core_type<tc>, window_params = [{transform_indices = @transform_0, window_bounds = array<i64: 2000, 128>}, {pipeline_mode = #tpu.pipeline_mode<synchronous>, transform_indices = @transform_1, window_bounds = array<i64: 128, 128>}, {pipeline_mode = #tpu.pipeline_mode<synchronous>, transform_indices = @transform_2, window_bounds = array<i64: 1, 128>}, {transform_indices = @transform_3, window_bounds = array<i64: 2000, 128>}]} {
    %get3A = arith.constant 0 : index
    %get3A_0 = arith.constant 0 : index
    %get3A_1 = vector.load %arg1[%get3A, %get3A_0] : memref<2000x128xf32, #tpu.memory_space<vmem>>, vector<2000x128xf32>
    %get3A_2 = arith.constant 0 : index
    %get3A_3 = arith.constant 0 : index
    %get3A_4 = vector.load %arg2[%get3A_2, %get3A_3] : memref<128x128xf32, #tpu.memory_space<vmem>>, vector<128x128xf32>
    %dot_general3A = arith.constant dense<0.000000e+00> : vector<2000x128xf32>
    %dot_general3A_5 = tpu.matmul %get3A_1, %get3A_4, %dot_general3A {dimension_numbers = #tpu.dot_dimension_numbers<[1], [1], [0], [0], [0, 0, 1, 0], [], []>, transpose_lhs_hint = false} : vector<2000x128xf32>, vector<128x128xf32>, vector<2000x128xf32> -> vector<2000x128xf32>
    %get3A_6 = arith.constant 0 : index
    %get3A_7 = arith.constant 0 : index
    %get3A_8 = vector.load %arg3[%get3A_6, %get3A_7] : memref<1x128xf32, #tpu.memory_space<vmem>>, vector<1x128xf32>
    %add3A = vector.broadcast %get3A_8 : vector<1x128xf32> to vector<2000x128xf32>
    %add3A_9 = arith.addf %dot_general3A_5, %add3A : vector<2000x128xf32>
    %swap3A = arith.constant 0 : index
    %swap3A_10 = arith.constant 0 : index
    %swap3A_11 = vector.load %arg4[%swap3A, %swap3A_10] : memref<2000x128xf32, #tpu.memory_space<vmem>>, vector<2000x128xf32>
    tpu.vector_store %arg4[%swap3A, %swap3A_10], %add3A_9 {strides = array<i32>} : memref<2000x128xf32, #tpu.memory_space<vmem>>, vector<2000x128xf32>,
    return
  }
  func.func @transform_0(%arg0: i32) -> (i32, i32) {
    %c0_i32 = arith.constant 0 : i32
    %c0_i32_0 = arith.constant 0 : i32
    return %arg0, %c0_i32 : i32, i32
  }
  func.func @transform_1(%arg0: i32) -> (i32, i32) {
    %c0_i32 = arith.constant 0 : i32
    %c0_i32_0 = arith.constant 0 : i32
    %c0_i32_1 = arith.constant 0 : i32
    return %c0_i32, %c0_i32_0 : i32, i32
  }
  func.func @transform_2(%arg0: i32) -> (i32, i32) {
    %c0_i32 = arith.constant 0 : i32
    %c0_i32_0 = arith.constant 0 : i32
    %c0_i32_1 = arith.constant 0 : i32
    return %c0_i32, %c0_i32_0 : i32, i32
  }
  func.func @transform_3(%arg0: i32) -> (i32, i32) {
    %c0_i32 = arith.constant 0 : i32
    %c0_i32_0 = arith.constant 0 : i32
    return %arg0, %c0_i32 : i32, i32
  }
}

module attributes {stable_mosaic.version = 14 : i64} {
  func.func @body(%arg0: i32, %arg1: memref<16x2048xf32, #tpu.memory_space<vmem>>, %arg2: memref<2048x1xf32, #tpu.memory_space<vmem>>) attributes {dimension_semantics = [#tpu.dimension_semantics<arbitrary>], iteration_bounds = array<i64: 5>, scalar_prefetch = 0 : i64, scratch_operands = 0 : i64, tpu.core_type = #tpu.core_type<tc>, window_params = [{transform_indices = @transform_0, window_bounds = array<i64: 16, 2048>}, {transform_indices = @transform_1, window_bounds = array<i64: 2048, 1>}]} {
    %get3A = arith.constant 0 : index
    %get3A_0 = arith.constant 0 : index
    %get3A_1 = vector.load %arg1[%get3A, %get3A_0] : memref<16x2048xf32, #tpu.memory_space<vmem>>, vector<16x2048xf32>
    %reduce_sum3A = arith.constant dense<0.000000e+00> : vector<2048xf32>
    %reduce_sum3A_2 = vector.multi_reduction <add>, %get3A_1, %reduce_sum3A [0] : vector<16x2048xf32> to vector<2048xf32>
    %broadcast_in_dim3A = vector.shape_cast %reduce_sum3A_2 : vector<2048xf32> to vector<2048x1xf32>
    %swap3A = arith.constant 0 : index
    %swap3A_3 = arith.constant 0 : index
    %swap3A_4 = vector.load %arg2[%swap3A, %swap3A_3] : memref<2048x1xf32, #tpu.memory_space<vmem>>, vector<2048x1xf32>
    tpu.vector_store %arg2[%swap3A, %swap3A_3], %broadcast_in_dim3A {strides = array<i32>} : memref<2048x1xf32, #tpu.memory_space<vmem>>, vector<2048x1xf32>,
    return
  }
  func.func @transform_0(%arg0: i32) -> (i32, i32) {
    %c0_i32 = arith.constant 0 : i32
    %c0_i32_0 = arith.constant 0 : i32
    return %c0_i32, %arg0 : i32, i32
  }
  func.func @transform_1(%arg0: i32) -> (i32, i32) {
    %c0_i32 = arith.constant 0 : i32
    %c0_i32_0 = arith.constant 0 : i32
    return %arg0, %c0_i32 : i32, i32
  }
}

module attributes {stable_mosaic.version = 14 : i64} {
  func.func @body(%arg0: i32, %arg1: memref<2000x128xf32, #tpu.memory_space<vmem>>, %arg2: memref<2000x128xf32, #tpu.memory_space<vmem>>, %arg3: memref<2000x1xf32, #tpu.memory_space<vmem>>, %arg4: memref<2000x128xf32, #tpu.memory_space<vmem>>) attributes {dimension_semantics = [#tpu.dimension_semantics<arbitrary>], iteration_bounds = array<i64: 5>, scalar_prefetch = 0 : i64, scratch_operands = 0 : i64, tpu.core_type = #tpu.core_type<tc>, window_params = [{transform_indices = @transform_0, window_bounds = array<i64: 2000, 128>}, {transform_indices = @transform_1, window_bounds = array<i64: 2000, 128>}, {transform_indices = @transform_2, window_bounds = array<i64: 2000, 1>}, {transform_indices = @transform_3, window_bounds = array<i64: 2000, 128>}]} {
    %get3A = arith.constant 0 : index
    %get3A_0 = arith.constant 0 : index
    %get3A_1 = vector.load %arg1[%get3A, %get3A_0] : memref<2000x128xf32, #tpu.memory_space<vmem>>, vector<2000x128xf32>
    %get3A_2 = arith.constant 0 : index
    %get3A_3 = arith.constant 0 : index
    %get3A_4 = vector.load %arg2[%get3A_2, %get3A_3] : memref<2000x128xf32, #tpu.memory_space<vmem>>, vector<2000x128xf32>
    %get3A_5 = arith.constant 0 : index
    %get3A_6 = arith.constant 0 : index
    %get3A_7 = vector.load %arg3[%get3A_5, %get3A_6] : memref<2000x1xf32, #tpu.memory_space<vmem>>, vector<2000x1xf32>
    %max3A = arith.constant 1.000000e+00 : f32
    %max3A_8 = vector.broadcast %max3A : f32 to vector<2000x1xf32>
    %max3A_9 = arith.maximumf %get3A_7, %max3A_8 : vector<2000x1xf32>
    %div3A = vector.broadcast %max3A_9 : vector<2000x1xf32> to vector<2000x128xf32>
    %div3A_10 = arith.divf %get3A_4, %div3A : vector<2000x128xf32>
    %add3A = arith.addf %get3A_1, %div3A_10 : vector<2000x128xf32>
    %max3A_11 = arith.constant 0.000000e+00 : f32
    %max3A_12 = vector.broadcast %max3A_11 : f32 to vector<2000x128xf32>
    %max3A_13 = arith.maximumf %add3A, %max3A_12 : vector<2000x128xf32>
    %swap3A = arith.constant 0 : index
    %swap3A_14 = arith.constant 0 : index
    %swap3A_15 = vector.load %arg4[%swap3A, %swap3A_14] : memref<2000x128xf32, #tpu.memory_space<vmem>>, vector<2000x128xf32>
    tpu.vector_store %arg4[%swap3A, %swap3A_14], %max3A_13 {strides = array<i32>} : memref<2000x128xf32, #tpu.memory_space<vmem>>, vector<2000x128xf32>,
    return
  }
  func.func @transform_0(%arg0: i32) -> (i32, i32) {
    %c0_i32 = arith.constant 0 : i32
    %c0_i32_0 = arith.constant 0 : i32
    return %arg0, %c0_i32 : i32, i32
  }
  func.func @transform_1(%arg0: i32) -> (i32, i32) {
    %c0_i32 = arith.constant 0 : i32
    %c0_i32_0 = arith.constant 0 : i32
    return %arg0, %c0_i32 : i32, i32
  }
  func.func @transform_2(%arg0: i32) -> (i32, i32) {
    %c0_i32 = arith.constant 0 : i32
    %c0_i32_0 = arith.constant 0 : i32
    return %arg0, %c0_i32 : i32, i32
  }
  func.func @transform_3(%arg0: i32) -> (i32, i32) {
    %c0_i32 = arith.constant 0 : i32
    %c0_i32_0 = arith.constant 0 : i32
    return %arg0, %c0_i32 : i32, i32
  }
}

</mosaic_0001>

<sc_bundles>
// kernel: kernel.8.cloned.1.call-start
scs
__scs_entry_jumppad:
0x0: {  	(pc) =	sbr.rel $0x88, $3  }
0x1: {  	(tag) =	ssettag $0x0;
	lr =	simm.s32 $0x1  }
0x2: {  	[smem:$0x3F9B] =	sst lr;
	_ =	strace $0xD0000000  }
0x3: {  	_ = 	snop  }
0x4: {  	_ = 	snop  }
0x5: {  	_ = 	snop  }
0x6: {  	_ = 	snop  }
0x7: {  	_ = 	snop  }
__scs_overlays_trampoline_lowered:
0x8: {  	[smem:$0x3FAA] =	sst s0  }
0x9: {  	[smem:$0x3FAB] =	sst s1  }
0xa: {  	[smem:$0x3FAC] =	sst s2  }
0xb: {  	[smem:$0x3FAD] =	sst s3  }
0xc: {  	[smem:$0x3FAE] =	sst s4  }
0xd: {  	[smem:$0x3FAF] =	sst s5  }
0xe: {  	[smem:$0x3FB0] =	sst s6  }
0xf: {  	[smem:$0x3FB1] =	sst s7  }
0x10: {  	[smem:$0x3FB2] =	sst s8  }
0x11: {  	[smem:$0x3FB3] =	sst s9;
	s0 =	simm.s32 @!p0 $0x0  }
0x12: {  	s1 =	sld [smem:$0x3F99];
	s0 =	simm.s32 @p0 $0x1  }
0x13: {  	[smem:$0x3FB4] =	sst s0;
	s0 =	simm.s32 @!p1 $0x0  }
0x14: {  	s2 =	sld [smem:$0x3F98];
	s0 =	simm.s32 @p1 $0x1  }
0x15: {  	[smem:$0x3FB5] =	sst s0;
	s0 =	simm.s32 @!p2 $0x0  }
0x16: {  	s3 =	sld [smem:$0x3FDB];
	s0 =	simm.s32 @p2 $0x1  }
0x17: {  	s4 =	simm.s32 $0x1BF5;
	[smem:$0x3FB7] =	sst s0  }
0x18: {  	s0 =	sld [smem:$0x3F9A];
	_ =	swait.ge [sflag:s4], $0x0  }
0x19: {  	s7 =	sld [smem:$0x3F9B]  }
0x1a: {  	s8 =	sadd.s32 $0xFFFFE003, lr  }
0x1b: {  	s9 =	sadd.s32 $0xFFFFFEF7, lr;
	s5 =	simm.s32 $0xFFFFFFFF;
	p2 =	slt.u32 s8, $0xFFFFF086  }
0x1c: {  	p1 =	slt.u32 s9, $0xF7A;
	s5 =	simm.s32 @!p2 $0x0  }
0x1d: {  	s5 =	simm.s32 @p1 $0x1;
	p0 =	seq.s32 s7, s2  }
0x1e: {  	s7 =	smul.u32 @!p0 $0xF7A, s2;
	p2 =	seq.s32 @!p0 s5, $0x0  }
0x1f: {  	s9 =	smul.u32 $0xF7A, s1;
	s8 =	simm.s32 @!p0 $0x1BF5;
	p2 =	por !p2, p0  }
0x20: {  	[sflag:s8] =	ssyncset.s32 @!p0 $0xFFFFF086;
	s6 =	sadd.s32 @!p0 s3, s7;
	s7 =	simm.s32 @!p0 $0x108  }
0x21: {  	s3 =	sadd.s32 s3, s9;
	s6 =	sadd.s32 @!p0 $0x88, s6;
	s7 =	simm.s32 @p2 $0x1082  }
0x22: {  	[simem:s7], [sflag:s8] =	dma.local @!p0 [hbm:s6], $0xF7A  }
0x23: {  	s9 =	sor.u32 $0xD0000000, s2;
	s6 =	simm.s32 $0x108;
	_ =	swait.ge @!p0 [sflag:s8], $0x0  }
0x24: {  	s3 =	sadd.s32 $0x88, s3;
	s6 =	simm.s32 @!p1 $0x1082;
	[sflag:s4] =	ssyncset.s32 $0xFFFFF086  }
0x25: {  	[simem:s6], [sflag:s4] =	dma.local [hbm:s3], $0xF7A  }
0x26: {  	[smem:$0x3F9B] =	sst s1;
	(tag) =	ssettag s2;
	_ =	strace s9  }
0x27: {  	s1 =	sld [smem:$0x3FAB]  }
0x28: {  	s2 =	sld [smem:$0x3FAC]  }
0x29: {  	s4 =	sld [smem:$0x3FAE]  }
0x2a: {  	p0 =	seq.s32 s5, $0x0;
	s5 =	sld [smem:$0x3FAF]  }
0x2b: {  	s6 =	sld [smem:$0x3FB0]  }
0x2c: {  	s7 =	sld [smem:$0x3FB1]  }
0x2d: {  	s3 =	simm.s32 $0x108;
	s8 =	sld [smem:$0x3FB2]  }
0x2e: {  	s3 =	simm.s32 @!p0 $0x1082;
	s9 =	sld [smem:$0x3FB3]  }
0x2f: {  	lr =	sadd.s32 s0, s3;
	s0 =	sld [smem:$0x3FAA]  }
0x30: {  	s3 =	sld [smem:$0x3FAD]  }
0x31: {  	[smem:$0x3FB6] =	sst s10  }
0x32: {  	s10 =	sld [smem:$0x3FB4];
	_ =	sdelay $0x3  }
0x33: {  	p0 =	seq.s32 s10, $0x1;
	s10 =	sld [smem:$0x3FB6];
	_ =	sdelay $0x3  }
0x34: {  	[smem:$0x3FB6] =	sst s10  }
0x35: {  	s10 =	sld [smem:$0x3FB5];
	_ =	sdelay $0x3  }
0x36: {  	p1 =	seq.s32 s10, $0x1;
	s10 =	sld [smem:$0x3FB6];
	_ =	sdelay $0x3  }
0x37: {  	[smem:$0x3FB6] =	sst s10  }
0x38: {  	s10 =	sld [smem:$0x3FB7]  }
0x39: {  	_ = 	snop;
	(pc) =	sbr.ind lr, $3  }
0x3a: {  	_ = 	snop  }
0x3b: {  	_ = 	snop  }
0x3c: {  	p2 =	seq.s32 s10, $0x1;
	s10 =	sld [smem:$0x3FB6]  }
0x3d: {  	_ =	shalt  }
0x3e: {  	_ =	shalt  }
0x3f: {  	_ =	shalt  }
0x40: {  	_ =	shalt  }
0x41: {  	_ =	shalt  }
0x42: {  	_ =	shalt  }
0x43: {  	_ =	shalt  }
0x44: {  	_ =	shalt  }
0x45: {  	_ =	shalt  }
0x46: {  	_ =	shalt  }
0x47: {  	_ =	shalt  }
0x48: {  	_ =	shalt  }
0x49: {  	_ =	shalt  }
0x4a: {  	_ =	shalt  }
0x4b: {  	_ =	shalt  }
0x4c: {  	_ =	shalt  }
0x4d: {  	_ =	shalt  }
0x4e: {  	_ =	shalt  }
0x4f: {  	_ =	shalt  }
0x50: {  	_ =	shalt  }
0x51: {  	_ =	shalt  }
0x52: {  	_ =	shalt  }
0x53: {  	_ =	shalt  }
0x54: {  	_ =	shalt  }
0x55: {  	_ =	shalt  }
0x56: {  	_ =	shalt  }
0x57: {  	_ =	shalt  }
0x58: {  	_ =	shalt  }
0x59: {  	_ =	shalt  }
0x5a: {  	_ =	shalt  }
0x5b: {  	_ =	shalt  }
0x5c: {  	_ =	shalt  }
0x5d: {  	_ =	shalt  }
0x5e: {  	_ =	shalt  }
0x5f: {  	_ =	shalt  }
0x60: {  	_ =	shalt  }
0x61: {  	_ =	shalt  }
0x62: {  	_ =	shalt  }
0x63: {  	_ =	shalt  }
0x64: {  	_ =	shalt  }
0x65: {  	_ =	shalt  }
0x66: {  	_ =	shalt  }
0x67: {  	_ =	shalt  }
0x68: {  	_ =	shalt  }
0x69: {  	_ =	shalt  }
0x6a: {  	_ =	shalt  }
0x6b: {  	_ =	shalt  }
0x6c: {  	_ =	shalt  }
0x6d: {  	_ =	shalt  }
0x6e: {  	_ =	shalt  }
0x6f: {  	_ =	shalt  }
0x70: {  	_ =	shalt  }
0x71: {  	_ =	shalt  }
0x72: {  	_ =	shalt  }
0x73: {  	_ =	shalt  }
0x74: {  	_ =	shalt  }
0x75: {  	_ =	shalt  }
0x76: {  	_ =	shalt  }
0x77: {  	_ =	shalt  }
0x78: {  	_ =	shalt  }
0x79: {  	_ =	shalt  }
0x7a: {  	_ =	shalt  }
0x7b: {  	_ =	shalt  }
0x7c: {  	_ =	shalt  }
0x7d: {  	_ =	shalt  }
0x7e: {  	_ =	shalt  }
0x7f: {  	_ =	shalt  }
0x80: {  	_ =	shalt  }
0x81: {  	_ =	shalt  }
0x82: {  	_ =	shalt  }
0x83: {  	_ =	shalt  }
0x84: {  	_ =	shalt  }
0x85: {  	_ =	shalt  }
0x86: {  	_ =	shalt  }
0x87: {  	_ =	shalt  }
.Lfunc_end0:
.L_simem_size_0:
called_computation_lowered:
.L_overlay_start_0:
0x88: {  	s2 =	sld [smem:$0x3FD9]  }
0x89: {  	s3 =	sld [smem:$0x3FFE];
	_ =	sdelay $0x1  }
0x8a: {  	s1 =	srdreg.scid  }
0x8b: {  	s0 =	sand.u32 $0x1, s1  }
0x8c: {  	s17 =	sshll.u32 s0, $0xA;
	s2 =	sadd.s32 s3, s2  }
0x8d: {  	s2 =	sadd.s32 s2, s17  }
0x8e: {  	[smem:$0x3FC2] =	sst s2  }
0x8f: {  	_ = 	snop  }
0x90: {  	s2 =	sld [smem:$0x3FD0];
	(tm) =	ssettm $0x1  }
0x91: {  	s18 =	sld [smem:$0x3FFB];
	_ =	sdelay $0x3  }
0x92: {  	_ =	strace s18  }
0x93: {  	s3 =	sld [smem:$0x3FFC];
	_ =	sdelay $0x3  }
0x94: {  	_ =	strace s3  }
0x95: {  	s3 =	sld [smem:$0x3FFD];
	_ =	sdelay $0x3  }
0x96: {  	_ =	strace s3  }
0x97: {  	_ =	strace $0x8FFFFFFF  }
0x98: {  	s19 =	sld [smem:$0x3FDB];
	_ =	sdelay $0x1  }
0x99: {  	s4 =	simm.s32 $_scs_section_size  }
0x9a: {  	s5 =	simm.s32 $_size__tile_overlayer_lowered;
	s6 =	simm.s32 $_tile_overlayer_lowered  }
0x9b: {  	s22 =	simm.s32 $0x1BFF;
	s21 =	sshll.u32 s6, $0x1;
	s3 =	sadd.s32 s4, s19  }
0x9c: {  	s7 =	simm.s32 $0x0;
	s20 =	sshll.u32 s5, $0x1;
	s5 =	sadd.s32 s21, s3  }
0x9d: {  	[timem:s7], [sflag:s22] =	dma.local [hbm:s5], s20  }
0x9e: {  	_ =	swait.ge [sflag:s22], s20  }
0x9f: {  	s4 =	ssub.s32 $0x0, s20;
	[sflag:s22] =	ssyncset.done $0x0  }
0xa0: {  	[sflag:s22] =	ssyncadd.s32 s4;
	_ =	sdelay $0x1  }
0xa1: {  	s23 =	simm.s32 $0x1B8B  }
0xa2: {  	_ =	swait.ge [sflag:s23], $0x1  }
0xa3: {  	[sflag:s23] =	ssyncset.done $0x0  }
0xa4: {  	s25 =	simm.s32 $0x1B8E;
	s24 =	sld [smem:$0x3FFE];
	[sflag:s23] =	ssyncadd.s32 $0xFFFFFFFF  }
0xa5: {  	s26 =	simm.s32 $execute0_lowered;
	[smem:$0x3FD2] =	sst s25  }
0xa6: {  	s5 =	sshll.u32 s26, $0x1;
	_ =	strace $0x80000046;
	[dreg:$0x1] =	wrdreg $0xFFFFFFFF  }
0xa7: {  	s28 =	simm.s32 $_size_execute0_lowered;
	s3 =	sadd.s32 s3, s5;
	[dreg:$0x0] =	wrdreg $0x0  }
0xa8: {  	s5 =	sshll.u32 s28, $0x1;
	[dreg:$0x2] =	wrdreg s3  }
0xa9: {  	[dreg:$0x3] =	wrdreg s5  }
0xaa: {  	[dreg:$0x4] =	wrdreg $0xC0  }
0xab: {  	_ =	task [dreg:s7], $0x5FFFF  }
0xac: {  	[dreg:$0x1] =	wrdreg $0xFFFFFFFF  }
0xad: {  	[dreg:$0x0] =	wrdreg $0x60  }
0xae: {  	[dreg:$0x2] =	wrdreg s24  }
0xaf: {  	[dreg:$0x3] =	wrdreg s2  }
0xb0: {  	[dreg:$0x4] =	wrdreg $0xAA000  }
0xb1: {  	[dreg:$0x5] =	wrdreg $0x9  }
0xb2: {  	_ =	task.clear_ibuf [dreg:s7], $0x6FFFF;
	_ =	strace $0x90000046  }
0xb3: {  	s29 =	simm.s32 $0x9;
	_ =	strace $0x80000048  }
0xb4: {  	_ =	swait.ge [sflag:s29], $0x1  }
0xb5: {  	[sflag:s29] =	ssyncadd.s32 $0xFFFFFFFF  }
0xb6: {  	_ =	strace $0x90000048  }
0xb7: {  	_ =	sfence  }
0xb8: {  	s30 =	sld [smem:$0x0];
	_ =	sdelay $0x2  }
0xb9: {  	s31 =	sshll.u32 s1, $0xD;
	s1 =	sshrl.u32 s1, $0x2  }
0xba: {  	s3 =	sand.u32 $0x4000, s31;
	s1 =	sadd.s32 s1, s30  }
0xbb: {  	s0 =	sor.u32 s3, s0;
	s1 =	sshll.u32 s1, $0x11  }
0xbc: {  	s0 =	sor.u32 s1, s0  }
0xbd: {  	s0 =	sadd.s32 $0x8F2B, s0  }
0xbe: {  	[sflag:s0] =	ssyncadd.remote.s32 $0x1  }
0xbf: {  	_ =	sfence.sel $0xFFFF  }
0xc0: {  	[dreg:$0x0] =	wrdreg $0xFFFFFFFF;
	(pc) =	sbr.abs _section_cstart, $3  }
0xc1: {  	[dreg:$0x1] =	wrdreg $0xFFFFFFFF  }
0xc2: {  	_ =	task.clear_ibuf [dreg:s7], $0x2FFFF;
	_ =	strace $0x9FFFFFFF  }
0xc3: {  	(tm) =	ssettm $0x7FFFFFFF  }
tec
execute0_lowered:
.L_overlay_start_1:
0x0: {  	(tag) =	ssettag $0x1  }
0x1: {  	s1 =	srdreg.scid  }
0x2: {  	s1 =	sand.u32 $0x1, s1  }
0x3: {  	p0 =	seq.s32 s1, $0x1  }
.Ltmp0:
0x4: {  	s5 =	rddreg [dreg:$0x0];
	(pc) =	sbr.rel @p0 .LBB2_9-.Ltmp0, $4  }
0x5: {  	s7 =	rddreg [dreg:$0x1]  }
0x6: {  	s2 =	rddreg [dreg:$0x2];
	s3 =	simm.s32 $0x0  }
0x7: {  	[smem:$0x7FF] =	sst s3  }
0x8: {  	s0 =	rddreg [dreg:$0x3];
	_ =	strace $0x80000047;
	s1 =	stileid.u32  }
0x9: {  	s8 =	smul.u32 $0x50000, s1  }
0xa: {  	s9 =	smul.u32 $0x2800, s1  }
0xb: {  	s3 =	sshrl.u32 s1, $0x3;
	s10 =	smul.u32 $0x1400, s1  }
0xc: {  	s6 =	sshll.u32 s1, $0x7;
	s4 =	smul.u32 $0x14000, s3  }
0xd: {  	s3 =	sadd.s32 $0x1600, s5;
	s6 =	sand.u32 $0x380, s6;
	s28 =	sshrl.u32 s8, $0x2  }
0xe: {  	s30 =	sadd.s32 s9, s5;
	s12 =	sadd.s32 s7, s10;
	s8 =	simm.s32 $0x40  }
0xf: {  	s9 =	simm.s32 $0x0;
	s4 =	sor.u32 s6, s4;
	s13 =	sadd.s32 $0x20, s12  }
0x10: {  	s6 =	sadd.s32 $0x13EE00, s30;
	s29 =	sshrl.u32 s4, $0x3;
	s4 =	sadd.s32 s28, s2  }
0x11: {  	s31 =	sadd.s32 s29, s5;
	s16 =	sadd.s32 $0x4000, s4;
	s15 =	sadd.s32 $0x8000, s4  }
0x12: {  	v0 =	vimm.f32 $0.0e+00;
	s14 =	sadd.s32 $0xC000, s4;
	s11 =	sadd.s32 $0x10000, s4;
	s5 =	sadd.s32 $0x139E00, s31  }
.LBB2_2:
0x13: {  	p0 =	sne.s32 s8, $0x9FC0;
	[tilespmem:s9+$0x8200] =	vst v0;
	s9 =	smov.u32 s8;
	s8 =	sadd.s32 $0x40, s8  }
.Ltmp1:
0x14: {  	(pc) =	sbr.rel @p0 .LBB2_2-.Ltmp1, $2  }
0x15: {  	_ =	sdelay $0x2  }
0x16: {  	s9 =	sshra.s32 s9, $0x2  }
0x17: {  	[tilespmem:s9+$0x8200] =	vst v0;
	v0 =	vimm.f32 $0.0e+00;
	s8 =	simm.s32 $0x0;
	s9 =	simm.s32 $0x200  }
.LBB2_4:
0x18: {  	p0 =	sne.s32 s9, $0xFE00;
	[tilespmem:s8+$0x270] =	vst v0  }
0x19: {  	[tilespmem:s8+$0x200] =	vst v0  }
0x1a: {  	[tilespmem:s8+$0x210] =	vst v0  }
.Ltmp2:
0x1b: {  	[tilespmem:s8+$0x220] =	vst v0;
	(pc) =	sbr.rel @p0 .LBB2_4-.Ltmp2, $4  }
0x1c: {  	[tilespmem:s8+$0x230] =	vst v0  }
0x1d: {  	[tilespmem:s8+$0x240] =	vst v0  }
0x1e: {  	[tilespmem:s8+$0x250] =	vst v0  }
0x1f: {  	[tilespmem:s8+$0x260] =	vst v0;
	s8 =	sshra.s32 s9, $0x2;
	s9 =	sadd.s32 $0x200, s9  }
0x20: {  	[tilespmem:s8+$0x270] =	vst v0  }
0x21: {  	[tilespmem:s8+$0x200] =	vst v0  }
0x22: {  	[tilespmem:s8+$0x210] =	vst v0  }
0x23: {  	[tilespmem:s8+$0x220] =	vst v0  }
0x24: {  	[tilespmem:s8+$0x230] =	vst v0  }
0x25: {  	[tilespmem:s8+$0x240] =	vst v0  }
0x26: {  	[tilespmem:s8+$0x250] =	vst v0  }
0x27: {  	[tilespmem:s8+$0x260] =	vst v0;
	s8 =	simm.s32 $0x200;
	s9 =	simm.s32 $0x5  }
0x28: {  	[spmem:s4] =	stream.linear.scatter [tilespmem:s8], [sflag:$0x5], $0x4000, $0x38;
	[tilespmem:$0x1EA00] =	vst v63  }
0x29: {  	_ =	swait.ge [sflag:s9], $0x4000  }
0x2a: {  	[sflag:s9] =	ssyncset.done $0x0  }
0x2b: {  	[sflag:s9] =	ssyncadd.s32 $0xFFFFC000  }
0x2c: {  	[spmem:s16] =	stream.linear.scatter [tilespmem:s8], [sflag:$0x5], $0x4000, $0x38;
	[tilespmem:$0x1EA00] =	vst v63  }
0x2d: {  	_ =	swait.ge [sflag:s9], $0x4000  }
0x2e: {  	[sflag:s9] =	ssyncset.done $0x0  }
0x2f: {  	[sflag:s9] =	ssyncadd.s32 $0xFFFFC000  }
0x30: {  	[spmem:s15] =	stream.linear.scatter [tilespmem:s8], [sflag:$0x5], $0x4000, $0x38;
	[tilespmem:$0x1EA00] =	vst v63  }
0x31: {  	_ =	swait.ge [sflag:s9], $0x4000  }
0x32: {  	[sflag:s9] =	ssyncset.done $0x0  }
0x33: {  	[sflag:s9] =	ssyncadd.s32 $0xFFFFC000  }
0x34: {  	[spmem:s14] =	stream.linear.scatter [tilespmem:s8], [sflag:$0x5], $0x4000, $0x38;
	[tilespmem:$0x1EA00] =	vst v63  }
0x35: {  	_ =	swait.ge [sflag:s9], $0x4000  }
0x36: {  	[sflag:s9] =	ssyncset.done $0x0  }
0x37: {  	[sflag:s9] =	ssyncadd.s32 $0xFFFFC000  }
0x38: {  	[spmem:s11] =	stream.linear.scatter [tilespmem:s8], [sflag:$0x5], $0x4000, $0x38;
	[tilespmem:$0x1EA00] =	vst v63  }
0x39: {  	_ =	swait.ge [sflag:s9], $0x4000  }
0x3a: {  	[sflag:s9] =	ssyncset.done $0x0  }
0x3b: {  	[sflag:s9] =	ssyncadd.s32 $0xFFFFC000  }
0x3c: {  	s11 =	simm.s32 $0x0;
	[bflag:$0x0] =	sbarrier.arrive $0xFFFF  }
0x3d: {  	[tilespmem:s11], [sflag:$0x5] =	stream.linear.gather [hbm4b:s12+s11], $0x100, $0x38;
	[tilespmem:$0x1EA00] =	vst v63  }
0x3e: {  	s7 =	sadd.s32 s10, s7;
	s10 =	simm.s32 $0xFFFFEC40;
	_ =	swait.ge [sflag:s9], $0x100  }
0x3f: {  	s17 =	simm.s32 $0x8200;
	s18 =	simm.s32 $0x180;
	[sflag:s9] =	ssyncset.done $0x0  }
0x40: {  	s16 =	simm.s32 $0x4200;
	s12 =	simm.s32 $0x100;
	[sflag:s9] =	ssyncadd.s32 $0xFFFFFF00  }
0x41: {  	[tilespmem:s12], [sflag:$0x2] =	stream.linear.gather [hbm4b:s13+s11], $0x100, $0x38;
	[tilespmem:$0x1EA00] =	vst v63  }
0x42: {  	s15 =	simm.s32 $0x2;
	s14 =	simm.s32 $0x3;
	s13 =	simm.s32 $0x80  }
0x43: {  	v0 =	vimm.f32 $1.000000000e+00;
	[tilespmem:s8], [sflag:$0x3] =	stream.indirect.gather [hbm4b:s3+s13], $0x80, s11, s13, $0xb8;
	[tilespmem:$0x1EA00] =	vst v63  }
.LBB2_6:
0x44: {  	_ =	swait.ge [sflag:s14], $0x4000  }
0x45: {  	[sflag:s14] =	ssyncset.done $0x0  }
0x46: {  	[sflag:s14] =	ssyncadd.s32 $0xFFFFC000  }
0x47: {  	_ =	swait.ge [sflag:s15], $0x100  }
0x48: {  	[sflag:s15] =	ssyncset.done $0x0  }
0x49: {  	[sflag:s15] =	ssyncadd.s32 $0xFFFFFF00  }
0x4a: {  	[tilespmem:s16], [sflag:$0x4] =	stream.indirect.gather [hbm4b:s3+s13], $0x80, s12, s13, $0xb8;
	[tilespmem:$0x1EA00] =	vst v63  }
0x4b: {  	_ = 	snop  }
0x4c: {  	[spmem:s2] =	stream.indirect.scatter.add.f32 [tilespmem:s8], [sflag:$0x5], $0x80, s13, s13, $0xb8;
	[tilespmem:$0x1EA00] =	vst v63  }
0x4d: {  	_ =	swait.ge [sflag:s9], $0x4000  }
0x4e: {  	[sflag:s9] =	ssyncset.done $0x0  }
0x4f: {  	[sflag:s9] =	ssyncadd.s32 $0xFFFFC000  }
0x50: {  	v1 =	vld [tilespmem:$0x80];
	_ =	sdelay $0x7  }
0x51: {  	[tilespmem:v1+s17+$0x0] =	vst.idx.add.f32.msk $0xffff, v0  }
0x52: {  	v1 =	vld [tilespmem:$0x90];
	_ =	sdelay $0x7  }
0x53: {  	[tilespmem:v1+s17+$0x0] =	vst.idx.add.f32.msk $0xffff, v0  }
0x54: {  	v1 =	vld [tilespmem:$0xA0];
	_ =	sdelay $0x7  }
0x55: {  	[tilespmem:v1+s17+$0x0] =	vst.idx.add.f32.msk $0xffff, v0  }
0x56: {  	v1 =	vld [tilespmem:$0xB0];
	_ =	sdelay $0x7  }
0x57: {  	[tilespmem:v1+s17+$0x0] =	vst.idx.add.f32.msk $0xffff, v0  }
0x58: {  	v1 =	vld [tilespmem:$0xC0];
	_ =	sdelay $0x7  }
0x59: {  	[tilespmem:v1+s17+$0x0] =	vst.idx.add.f32.msk $0xffff, v0  }
0x5a: {  	v1 =	vld [tilespmem:$0xD0];
	_ =	sdelay $0x7  }
0x5b: {  	[tilespmem:v1+s17+$0x0] =	vst.idx.add.f32.msk $0xffff, v0  }
0x5c: {  	v1 =	vld [tilespmem:$0xE0];
	_ =	sdelay $0x7  }
0x5d: {  	[tilespmem:v1+s17+$0x0] =	vst.idx.add.f32.msk $0xffff, v0  }
0x5e: {  	v1 =	vld [tilespmem:$0xF0];
	_ =	sdelay $0x6  }
0x5f: {  	p0 =	seq.s32 s10, $0x0  }
0x60: {  	s19 =	simm.s32 @p0 $0x4;
	[tilespmem:v1+s17+$0x0] =	vst.idx.add.f32.msk $0xffff, v0  }
0x61: {  	_ =	swait.ge @p0 [sflag:s19], $0x4000  }
0x62: {  	s20 =	sadd.s32 @!p0 s10, s7;
	[sflag:s19] =	ssyncset.done @p0 $0x0  }
0x63: {  	[sflag:s19] =	ssyncadd.s32 @p0 $0xFFFFC000;
	s19 =	sadd.s32 @!p0 $0x1400, s20;
	s20 =	simm.s32 @!p0 $0x0  }
0x64: {  	[tilespmem:s20], [sflag:$0x1] =	stream.linear.gather @!p0 [hbm4b:s19+s20], $0x100, $0x38;
	[tilespmem:$0x1EA00] =	vst v63  }
0x65: {  	s19 =	simm.s32 @!p0 $0x4  }
0x66: {  	_ =	swait.ge @!p0 [sflag:s19], $0x4000  }
0x67: {  	[sflag:s19] =	ssyncset.done @!p0 $0x0  }
0x68: {  	[sflag:s19] =	ssyncadd.s32 @!p0 $0xFFFFC000;
	s19 =	simm.s32 @!p0 $0x1  }
0x69: {  	_ =	swait.ge @!p0 [sflag:s19], $0x100  }
0x6a: {  	[sflag:s19] =	ssyncset.done @!p0 $0x0  }
0x6b: {  	s21 =	simm.s32 @!p0 $0x200;
	[sflag:s19] =	ssyncadd.s32 @!p0 $0xFFFFFF00;
	s19 =	simm.s32 @!p0 $0x80  }
0x6c: {  	[tilespmem:s21], [sflag:$0x3] =	stream.indirect.gather @!p0 [hbm4b:s3+s19], $0x80, s20, s19, $0xb8;
	[tilespmem:$0x1EA00] =	vst v63  }
0x6d: {  	_ = 	snop  }
0x6e: {  	[spmem:s2] =	stream.indirect.scatter.add.f32 [tilespmem:s16], [sflag:$0x5], $0x80, s18, s13, $0xb8;
	[tilespmem:$0x1EA00] =	vst v63  }
0x6f: {  	_ =	swait.ge [sflag:s9], $0x4000  }
0x70: {  	[sflag:s9] =	ssyncset.done $0x0  }
0x71: {  	[sflag:s9] =	ssyncadd.s32 $0xFFFFC000  }
0x72: {  	v1 =	vld [tilespmem:$0x180];
	_ =	sdelay $0x7  }
0x73: {  	[tilespmem:v1+s17+$0x0] =	vst.idx.add.f32.msk $0xffff, v0  }
0x74: {  	v1 =	vld [tilespmem:$0x190];
	_ =	sdelay $0x7  }
0x75: {  	[tilespmem:v1+s17+$0x0] =	vst.idx.add.f32.msk $0xffff, v0  }
0x76: {  	v1 =	vld [tilespmem:$0x1A0];
	_ =	sdelay $0x7  }
0x77: {  	[tilespmem:v1+s17+$0x0] =	vst.idx.add.f32.msk $0xffff, v0  }
0x78: {  	v1 =	vld [tilespmem:$0x1B0];
	_ =	sdelay $0x7  }
0x79: {  	[tilespmem:v1+s17+$0x0] =	vst.idx.add.f32.msk $0xffff, v0  }
0x7a: {  	v1 =	vld [tilespmem:$0x1C0];
	_ =	sdelay $0x7  }
0x7b: {  	[tilespmem:v1+s17+$0x0] =	vst.idx.add.f32.msk $0xffff, v0  }
0x7c: {  	v1 =	vld [tilespmem:$0x1D0];
	_ =	sdelay $0x7  }
0x7d: {  	[tilespmem:v1+s17+$0x0] =	vst.idx.add.f32.msk $0xffff, v0  }
0x7e: {  	v1 =	vld [tilespmem:$0x1E0];
	_ =	sdelay $0x7  }
0x7f: {  	[tilespmem:v1+s17+$0x0] =	vst.idx.add.f32.msk $0xffff, v0  }
0x80: {  	v1 =	vld [tilespmem:$0x1F0];
	_ =	sdelay $0x3  }
.Ltmp3:
0x81: {  	_ = 	snop;
	(pc) =	sbr.rel @p0 .LBB2_8-.Ltmp3, $2  }
0x82: {  	_ =	sdelay $0x2  }
0x83: {  	[tilespmem:v1+s17+$0x0] =	vst.idx.add.f32.msk $0xffff, v0  }
.Ltmp4:
0x84: {  	(pc) =	sbr.rel .LBB2_6-.Ltmp4, $4  }
0x85: {  	_ = 	snop  }
0x86: {  	s19 =	sadd.s32 s10, s7  }
0x87: {  	s10 =	sadd.s32 $0x40, s10;
	s19 =	sadd.s32 $0x1420, s19  }
0x88: {  	[tilespmem:s12], [sflag:$0x2] =	stream.linear.gather [hbm4b:s19+s11], $0x100, $0x38;
	[tilespmem:$0x1EA00] =	vst v63  }
.LBB2_8:
0x89: {  	s2 =	sshll.u32 s1, $0x6;
	[bflag:$0x0] =	sbarrier.arrive $0xFFFF  }
0x8a: {  	s3 =	sshrl.u32 s4, $0x3;
	s28 =	simm.s32 $0x5;
	s2 =	sor.u32 $0x1C05, s2  }
0x8b: {  	[hbm:s6], [sflag:s2] =	dma.local [spmem:s3], $0x2800  }
0x8c: {  	_ =	swait.ge [sflag:s28], $0x2800  }
0x8d: {  	s29 =	simm.s32 $0x80;
	[sflag:s28] =	ssyncset.done $0x0  }
0x8e: {  	s30 =	simm.s32 $0x400;
	s31 =	simm.s32 $0x8200;
	[sflag:s28] =	ssyncadd.s32 $0xFFFFD800  }
0x8f: {  	[hbm4b:s5+s29] =	stream.strided.scatter [tilespmem:s31], [sflag:$0x5], $0x2800, s30, s29, $0x38;
	[tilespmem:$0x1EA00] =	vst v63  }
0x90: {  	_ =	swait.ge [sflag:s28], $0x2800  }
0x91: {  	[sflag:s28] =	ssyncset.done $0x0  }
0x92: {  	[sflag:s28] =	ssyncadd.s32 $0xFFFFD800  }
.LBB2_9:
0x93: {  	_ =	sfence.sel $0x180000  }
0x94: {  	[bflag:$0x0] =	sbarrier.arrive $0xFFFF  }
0x95: {  	p0 =	sne.s32 s1, $0x0;
	_ =	strace $0x90000047  }
0x96: {  	s0 =	sadd.s32 @!p0 $0x100000, s0;
	[bflag:$0x2] =	sbarrier.arrive $0xFFFF  }
0x97: {  	[sflag:s0] =	ssyncadd.tile.s32 @!p0 $0x1;
	_ =	shalt  }
.Lfunc_end2:
_tile_overlayer_lowered:
.L_overlay_start_2:
0x98: {  	(tag) =	ssettag $0x2  }
0x99: {  	s0 =	rddreg [dreg:$0x0];
	s2 =	stileid.u32  }
0x9a: {  	s1 =	rddreg [dreg:$0x1];
	p0 =	sne.s32 s2, $0x0  }
0x9b: {  	s3 =	rddreg [dreg:$0x2];
	[bflag:$0x3] =	sbarrier.arrive $0xFFFF;
	s2 =	simm.s32 @!p0 $0x1C05  }
0x9c: {  	[timem:s3], [sflag:s2] =	dma.local @!p0 [hbm:s0], s1  }
0x9d: {  	s0 =	simm.s32 @!p0 $0x5  }
0x9e: {  	_ =	swait.ge @!p0 [sflag:s0], s1  }
0x9f: {  	s1 =	ssub.s32 @!p0 $0x0, s1;
	[sflag:s0] =	ssyncset.done @!p0 $0x0  }
0xa0: {  	[sflag:s0] =	ssyncadd.s32 @!p0 s1  }
0xa1: {  	[bflag:$0x3] =	sbarrier.arrive $0xFFFF  }
0xa2: {  	_ =	shalt  }

</sc_bundles>
